<compile_context>
chip_gen: v7x
topology: tpu7x:2x2x1
jax: 0.10.2.dev20260603
libtpu: 0.0.44.dev20260713+nightly
codegen_flags: <defaults>
</compile_context>

<pallas_src>
import functools

import jax
import jax.numpy as jnp
from jax import lax
from jax.experimental import pallas as pl
from jax.experimental.pallas import tpu as pltpu
from jax.experimental.pallas import tpu_sc as plsc

_TOKENS = 8192
_D = 2048
_E = 16
_NW = 32
_TPW = _TOKENS // _NW
_CHUNK = _TPW * _E
_BT = 1024


def _logits_tc_body(w_ref, x_ref, b_ref, out_ref):
    wc = w_ref[...].astype(jnp.bfloat16)
    xc = x_ref[...].astype(jnp.bfloat16)
    out_ref[...] = lax.dot_general(
        wc, xc,
        dimension_numbers=(((1,), (1,)), ((), ())),
        preferred_element_type=jnp.float32) + b_ref[...]


_logits_tc = pl.pallas_call(
    _logits_tc_body,
    grid=(_TOKENS // _BT,),
    in_specs=[
        pl.BlockSpec((_E, _D), lambda i: (0, 0)),
        pl.BlockSpec((_BT, _D), lambda i: (i, 0)),
        pl.BlockSpec((_E, 1), lambda i: (0, 0)),
    ],
    out_specs=pl.BlockSpec((_E, _BT), lambda i: (0, i)),
    out_shape=jax.ShapeDtypeStruct((_E, _TOKENS), jnp.float32),
)


def _gate_sc_body(logits_hbm, mask_hbm, wts_hbm, lg_v, mk_v, wt_v):
    wid = lax.axis_index("s") * 2 + lax.axis_index("c")
    base = wid * _TPW
    pltpu.sync_copy(logits_hbm.at[:, pl.ds(base, _TPW)], lg_v)

    lane = lax.iota(jnp.int32, 16)
    lane16 = lane * _E
    neg_inf = jnp.float32(-jnp.inf)
    one = jnp.float32(1.0)
    zero = jnp.float32(0.0)

    def body(j, carry):
        t0 = j * 16
        vs = [lg_v[e, pl.ds(t0, 16)] for e in range(_E)]
        m1 = functools.reduce(jnp.maximum, vs)
        i1 = functools.reduce(
            jnp.minimum, [jnp.where(vs[e] == m1, e, _E) for e in range(_E)])
        v2 = [jnp.where(i1 == e, neg_inf, vs[e]) for e in range(_E)]
        m2 = functools.reduce(jnp.maximum, v2)
        i2 = functools.reduce(
            jnp.minimum, [jnp.where(v2[e] == m2, e, _E) for e in range(_E)])
        msk = [jnp.where((i1 == e) | (i2 == e), one, zero) for e in range(_E)]
        sp = [msk[e] * vs[e] for e in range(_E)]
        mx = functools.reduce(jnp.maximum, sp)
        ex = [jnp.exp(sp[e] - mx) for e in range(_E)]
        inv = one / functools.reduce(jnp.add, ex)
        off = j * (16 * _E) + lane16
        for e in range(_E):
            plsc.store_scatter(mk_v, [off + e], msk[e])
            plsc.store_scatter(wt_v, [off + e], ex[e] * inv)
        return carry

    lax.fori_loop(0, _TPW // 16, body, 0)
    pltpu.sync_copy(mk_v, mask_hbm.at[pl.ds(base * _E, _CHUNK)])
    pltpu.sync_copy(wt_v, wts_hbm.at[pl.ds(base * _E, _CHUNK)])


_gate_sc = functools.partial(
    pl.kernel,
    out_type=(jax.ShapeDtypeStruct((_TOKENS * _E,), jnp.float32),
              jax.ShapeDtypeStruct((_TOKENS * _E,), jnp.float32)),
    mesh=plsc.VectorSubcoreMesh(core_axis_name="c", subcore_axis_name="s"),
    compiler_params=pltpu.CompilerParams(needs_layout_passes=False, skip_device_barrier=True),
    scratch_types=[
        pltpu.VMEM((_E, _TPW), jnp.float32),
        pltpu.VMEM((_CHUNK,), jnp.float32),
        pltpu.VMEM((_CHUNK,), jnp.float32),
    ],
)(_gate_sc_body)


def kernel(x, W, b):
    logits_t = _logits_tc(W, x, b.reshape(_E, 1))
    mask_f, wts_f = _gate_sc(logits_t)
    return (mask_f.reshape(_TOKENS, _E), wts_f.reshape(_TOKENS, _E))

# --- scband reference (transcript-rebuilt; emitter-appended) ---
"""Pipeline reference for scband-hard-gating-network-87943750353367 (READ-ONLY COPY).

The authoritative reference and input builder live on the scoring server;
editing this copy changes nothing except your own understanding.
"""

import jax, jax.numpy as jnp
import numpy as np

TOKENS = 8192
D_MODEL = 2048
NUM_EXPERTS = 16
TOP_K = 2


def setup_inputs(seed: int = 0) -> dict:
    key = jax.random.key(seed)
    k1, k2, k3 = jax.random.split(key, 3)
    x = jax.random.normal(k1, (TOKENS, D_MODEL), dtype=jnp.float32)
    # nn.Linear(input_dim, num_experts): weight [num_experts, input_dim], bias [num_experts]
    bound = 1.0 / np.sqrt(D_MODEL)
    W = jax.random.uniform(k2, (NUM_EXPERTS, D_MODEL), dtype=jnp.float32, minval=-bound, maxval=bound)
    b = jax.random.uniform(k3, (NUM_EXPERTS,), dtype=jnp.float32, minval=-bound, maxval=bound)
    return {"x": x, "W": W, "b": b}


def reference(x, W, b):
    # logits = self.gate(x)
    logits = x @ W.T + b
    # top_k_values, top_k_indices = torch.topk(logits, self.top_k, dim=1)
    top_k_values, top_k_indices = jax.lax.top_k(logits, TOP_K)
    # mask = zeros_like(logits); mask.scatter_(1, top_k_indices, 1.0)
    rows = jnp.arange(logits.shape[0])[:, None]
    mask = jnp.zeros_like(logits).at[rows, top_k_indices].set(1.0)
    # sparse_logits = mask * logits; expert_weights = softmax(sparse_logits, dim=1)
    sparse_logits = mask * logits
    expert_weights = jax.nn.softmax(sparse_logits, axis=1)
    return (mask, expert_weights)

if __name__ == "__main__":
    import jax
    _d = setup_inputs()
    print(jax.jit(kernel)(*tuple(_d.values())))

</pallas_src>

<mosaic_0001>
#map = affine_map<(d0, d1) -> (0, 0)>
#map1 = affine_map<(d0, d1) -> (0)>
module attributes {stable_mosaic.version = 14 : i64} {
  func.func @_gate_sc_body(%arg0: i32, %arg1: i32, %arg2: memref<16x8192xf32, #tpu.memory_space<hbm>>, %arg3: memref<131072xf32, #tpu.memory_space<hbm>>, %arg4: memref<131072xf32, #tpu.memory_space<hbm>>, %arg5: memref<16x256xf32, #tpu.memory_space<vmem>>, %arg6: memref<4096xf32, #tpu.memory_space<vmem>>, %arg7: memref<4096xf32, #tpu.memory_space<vmem>>) attributes {dimension_semantics = [#tpu.dimension_semantics<core_parallel>, #tpu.dimension_semantics<subcore_parallel>], iteration_bounds = array<i64: 2, 16>, scalar_prefetch = 0 : i64, scratch_operands = 3 : i64, tpu.core_type = #tpu.core_type<sc_vector_subcore>, window_params = [{transform_indices = #map}, {transform_indices = #map1}, {transform_indices = #map1}]} {
    %mul3A = arith.constant 2 : i32
    %mul3A_0 = arith.muli %arg1, %mul3A : i32
    %add3A = arith.addi %mul3A_0, %arg0 : i32
    %mul3A_1 = arith.constant 256 : i32
    %mul3A_2 = arith.muli %add3A, %mul3A_1 : i32
    "tpu.region"() ({
      %run_scoped3A = tpu.sem_alloc : memref<!tpu.dma_semaphore, #tpu.memory_space<semaphore_mem>>
      %dma_start3A = arith.constant 0 : i32
      %dma_start3A_18 = tpu.memref_slice %arg2[%dma_start3A, %mul3A_2] : memref<16x8192xf32, #tpu.memory_space<hbm>> -> memref<16x256xf32, #tpu.memory_space<hbm>>
      %dma_start3A_19 = arith.constant 0 : i32
      %dma_start3A_20 = tpu.memref_slice %arg2[%dma_start3A_19, %mul3A_2] : memref<16x8192xf32, #tpu.memory_space<hbm>> -> memref<16x256xf32, #tpu.memory_space<hbm>>
      tpu.enqueue_dma source(%dma_start3A_20 : memref<16x256xf32, #tpu.memory_space<hbm>>) target(%arg5 : memref<16x256xf32, #tpu.memory_space<vmem>>) target_semaphore(%run_scoped3A : memref<!tpu.dma_semaphore, #tpu.memory_space<semaphore_mem>>)
      %dma_wait3A = arith.constant 0 : i32
      %dma_wait3A_21 = tpu.memref_slice %arg2[%dma_wait3A, %mul3A_2] : memref<16x8192xf32, #tpu.memory_space<hbm>> -> memref<16x256xf32, #tpu.memory_space<hbm>>
      %dma_wait3A_22 = arith.constant 0 : i32
      %dma_wait3A_23 = tpu.memref_slice %arg2[%dma_wait3A_22, %mul3A_2] : memref<16x8192xf32, #tpu.memory_space<hbm>> -> memref<16x256xf32, #tpu.memory_space<hbm>>
      tpu.wait_dma2 semaphore(%run_scoped3A : memref<!tpu.dma_semaphore, #tpu.memory_space<semaphore_mem>>) src(%dma_wait3A_23 : memref<16x256xf32, #tpu.memory_space<hbm>>) dst(%arg5 : memref<16x256xf32, #tpu.memory_space<vmem>>)
      tpu.yield
    }) : () -> ()
    %iota3A = tpu.iota {dimensions = array<i32: 0>} : vector<16xi32>
    %mul3A_3 = arith.constant 16 : i32
    %mul3A_4 = vector.broadcast %mul3A_3 : i32 to vector<16xi32>
    %mul3A_5 = arith.muli %iota3A, %mul3A_4 : vector<16xi32>
    %scan3A = arith.constant 0 : i32
    %scan3A_6 = arith.constant 0xFF800000 : f32
    %scan3A_7 = arith.constant 1.000000e+00 : f32
    %scan3A_8 = arith.constant 0.000000e+00 : f32
    %scan3A_9 = arith.constant 0 : i32
    %scan3A_10 = arith.constant 16 : i32
    %scan3A_11 = arith.addi %scan3A_9, %scan3A_10 : i32
    %scan3A_12 = arith.constant 1 : i32
    scf.for %scan3A_18 = %scan3A_9 to %scan3A_11 step %scan3A_12  : i32 {
      %mul3A_19 = arith.constant 16 : i32
      %mul3A_20 = arith.muli %scan3A_18, %mul3A_19 : i32
      %get3A = arith.constant 0 : i32
      %get3A_21 = arith.index_cast %get3A : i32 to index
      %get3A_22 = arith.index_cast %mul3A_20 : i32 to index
      %get3A_23 = tpu.vector_load %arg5[%get3A_21, %get3A_22] {strides = array<i32>} : memref<16x256xf32, #tpu.memory_space<vmem>>, vector<16xf32>,
      %get3A_24 = arith.constant 1 : i32
      %get3A_25 = arith.index_cast %get3A_24 : i32 to index
      %get3A_26 = arith.index_cast %mul3A_20 : i32 to index
      %get3A_27 = tpu.vector_load %arg5[%get3A_25, %get3A_26] {strides = array<i32>} : memref<16x256xf32, #tpu.memory_space<vmem>>, vector<16xf32>,
      %get3A_28 = arith.constant 2 : i32
      %get3A_29 = arith.index_cast %get3A_28 : i32 to index
      %get3A_30 = arith.index_cast %mul3A_20 : i32 to index
      %get3A_31 = tpu.vector_load %arg5[%get3A_29, %get3A_30] {strides = array<i32>} : memref<16x256xf32, #tpu.memory_space<vmem>>, vector<16xf32>,
      %get3A_32 = arith.constant 3 : i32
      %get3A_33 = arith.index_cast %get3A_32 : i32 to index
      %get3A_34 = arith.index_cast %mul3A_20 : i32 to index
      %get3A_35 = tpu.vector_load %arg5[%get3A_33, %get3A_34] {strides = array<i32>} : memref<16x256xf32, #tpu.memory_space<vmem>>, vector<16xf32>,
      %get3A_36 = arith.constant 4 : i32
      %get3A_37 = arith.index_cast %get3A_36 : i32 to index
      %get3A_38 = arith.index_cast %mul3A_20 : i32 to index
      %get3A_39 = tpu.vector_load %arg5[%get3A_37, %get3A_38] {strides = array<i32>} : memref<16x256xf32, #tpu.memory_space<vmem>>, vector<16xf32>,
      %get3A_40 = arith.constant 5 : i32
      %get3A_41 = arith.index_cast %get3A_40 : i32 to index
      %get3A_42 = arith.index_cast %mul3A_20 : i32 to index
      %get3A_43 = tpu.vector_load %arg5[%get3A_41, %get3A_42] {strides = array<i32>} : memref<16x256xf32, #tpu.memory_space<vmem>>, vector<16xf32>,
      %get3A_44 = arith.constant 6 : i32
      %get3A_45 = arith.index_cast %get3A_44 : i32 to index
      %get3A_46 = arith.index_cast %mul3A_20 : i32 to index
      %get3A_47 = tpu.vector_load %arg5[%get3A_45, %get3A_46] {strides = array<i32>} : memref<16x256xf32, #tpu.memory_space<vmem>>, vector<16xf32>,
      %get3A_48 = arith.constant 7 : i32
      %get3A_49 = arith.index_cast %get3A_48 : i32 to index
      %get3A_50 = arith.index_cast %mul3A_20 : i32 to index
      %get3A_51 = tpu.vector_load %arg5[%get3A_49, %get3A_50] {strides = array<i32>} : memref<16x256xf32, #tpu.memory_space<vmem>>, vector<16xf32>,
      %get3A_52 = arith.constant 8 : i32
      %get3A_53 = arith.index_cast %get3A_52 : i32 to index
      %get3A_54 = arith.index_cast %mul3A_20 : i32 to index
      %get3A_55 = tpu.vector_load %arg5[%get3A_53, %get3A_54] {strides = array<i32>} : memref<16x256xf32, #tpu.memory_space<vmem>>, vector<16xf32>,
      %get3A_56 = arith.constant 9 : i32
      %get3A_57 = arith.index_cast %get3A_56 : i32 to index
      %get3A_58 = arith.index_cast %mul3A_20 : i32 to index
      %get3A_59 = tpu.vector_load %arg5[%get3A_57, %get3A_58] {strides = array<i32>} : memref<16x256xf32, #tpu.memory_space<vmem>>, vector<16xf32>,
      %get3A_60 = arith.constant 10 : i32
      %get3A_61 = arith.index_cast %get3A_60 : i32 to index
      %get3A_62 = arith.index_cast %mul3A_20 : i32 to index
      %get3A_63 = tpu.vector_load %arg5[%get3A_61, %get3A_62] {strides = array<i32>} : memref<16x256xf32, #tpu.memory_space<vmem>>, vector<16xf32>,
      %get3A_64 = arith.constant 11 : i32
      %get3A_65 = arith.index_cast %get3A_64 : i32 to index
      %get3A_66 = arith.index_cast %mul3A_20 : i32 to index
      %get3A_67 = tpu.vector_load %arg5[%get3A_65, %get3A_66] {strides = array<i32>} : memref<16x256xf32, #tpu.memory_space<vmem>>, vector<16xf32>,
      %get3A_68 = arith.constant 12 : i32
      %get3A_69 = arith.index_cast %get3A_68 : i32 to index
      %get3A_70 = arith.index_cast %mul3A_20 : i32 to index
      %get3A_71 = tpu.vector_load %arg5[%get3A_69, %get3A_70] {strides = array<i32>} : memref<16x256xf32, #tpu.memory_space<vmem>>, vector<16xf32>,
      %get3A_72 = arith.constant 13 : i32
      %get3A_73 = arith.index_cast %get3A_72 : i32 to index
      %get3A_74 = arith.index_cast %mul3A_20 : i32 to index
      %get3A_75 = tpu.vector_load %arg5[%get3A_73, %get3A_74] {strides = array<i32>} : memref<16x256xf32, #tpu.memory_space<vmem>>, vector<16xf32>,
      %get3A_76 = arith.constant 14 : i32
      %get3A_77 = arith.index_cast %get3A_76 : i32 to index
      %get3A_78 = arith.index_cast %mul3A_20 : i32 to index
      %get3A_79 = tpu.vector_load %arg5[%get3A_77, %get3A_78] {strides = array<i32>} : memref<16x256xf32, #tpu.memory_space<vmem>>, vector<16xf32>,
      %get3A_80 = arith.constant 15 : i32
      %get3A_81 = arith.index_cast %get3A_80 : i32 to index
      %get3A_82 = arith.index_cast %mul3A_20 : i32 to index
      %get3A_83 = tpu.vector_load %arg5[%get3A_81, %get3A_82] {strides = array<i32>} : memref<16x256xf32, #tpu.memory_space<vmem>>, vector<16xf32>,
      %max3A = arith.maximumf %get3A_23, %get3A_27 : vector<16xf32>
      %max3A_84 = arith.maximumf %max3A, %get3A_31 : vector<16xf32>
      %max3A_85 = arith.maximumf %max3A_84, %get3A_35 : vector<16xf32>
      %max3A_86 = arith.maximumf %max3A_85, %get3A_39 : vector<16xf32>
      %max3A_87 = arith.maximumf %max3A_86, %get3A_43 : vector<16xf32>
      %max3A_88 = arith.maximumf %max3A_87, %get3A_47 : vector<16xf32>
      %max3A_89 = arith.maximumf %max3A_88, %get3A_51 : vector<16xf32>
      %max3A_90 = arith.maximumf %max3A_89, %get3A_55 : vector<16xf32>
      %max3A_91 = arith.maximumf %max3A_90, %get3A_59 : vector<16xf32>
      %max3A_92 = arith.maximumf %max3A_91, %get3A_63 : vector<16xf32>
      %max3A_93 = arith.maximumf %max3A_92, %get3A_67 : vector<16xf32>
      %max3A_94 = arith.maximumf %max3A_93, %get3A_71 : vector<16xf32>
      %max3A_95 = arith.maximumf %max3A_94, %get3A_75 : vector<16xf32>
      %max3A_96 = arith.maximumf %max3A_95, %get3A_79 : vector<16xf32>
      %max3A_97 = arith.maximumf %max3A_96, %get3A_83 : vector<16xf32>
      %eq3A = arith.cmpf oeq, %get3A_23, %max3A_97 : vector<16xf32>
      %jit3A = arith.constant 0 : i32
      %jit3A_98 = arith.constant 16 : i32
      %broadcast_in_dim3A = vector.broadcast %jit3A : i32 to vector<16xi32>
      %broadcast_in_dim3A_99 = vector.broadcast %jit3A_98 : i32 to vector<16xi32>
      %select_n3A = arith.select %eq3A, %broadcast_in_dim3A, %broadcast_in_dim3A_99 : vector<16xi1>, vector<16xi32>
      %eq3A_100 = arith.cmpf oeq, %get3A_27, %max3A_97 : vector<16xf32>
      %jit3A_101 = arith.constant 1 : i32
      %jit3A_102 = arith.constant 16 : i32
      %broadcast_in_dim3A_103 = vector.broadcast %jit3A_101 : i32 to vector<16xi32>
      %broadcast_in_dim3A_104 = vector.broadcast %jit3A_102 : i32 to vector<16xi32>
      %select_n3A_105 = arith.select %eq3A_100, %broadcast_in_dim3A_103, %broadcast_in_dim3A_104 : vector<16xi1>, vector<16xi32>
      %eq3A_106 = arith.cmpf oeq, %get3A_31, %max3A_97 : vector<16xf32>
      %jit3A_107 = arith.constant 2 : i32
      %jit3A_108 = arith.constant 16 : i32
      %broadcast_in_dim3A_109 = vector.broadcast %jit3A_107 : i32 to vector<16xi32>
      %broadcast_in_dim3A_110 = vector.broadcast %jit3A_108 : i32 to vector<16xi32>
      %select_n3A_111 = arith.select %eq3A_106, %broadcast_in_dim3A_109, %broadcast_in_dim3A_110 : vector<16xi1>, vector<16xi32>
      %eq3A_112 = arith.cmpf oeq, %get3A_35, %max3A_97 : vector<16xf32>
      %jit3A_113 = arith.constant 3 : i32
      %jit3A_114 = arith.constant 16 : i32
      %broadcast_in_dim3A_115 = vector.broadcast %jit3A_113 : i32 to vector<16xi32>
      %broadcast_in_dim3A_116 = vector.broadcast %jit3A_114 : i32 to vector<16xi32>
      %select_n3A_117 = arith.select %eq3A_112, %broadcast_in_dim3A_115, %broadcast_in_dim3A_116 : vector<16xi1>, vector<16xi32>
      %eq3A_118 = arith.cmpf oeq, %get3A_39, %max3A_97 : vector<16xf32>
      %jit3A_119 = arith.constant 4 : i32
      %jit3A_120 = arith.constant 16 : i32
      %broadcast_in_dim3A_121 = vector.broadcast %jit3A_119 : i32 to vector<16xi32>
      %broadcast_in_dim3A_122 = vector.broadcast %jit3A_120 : i32 to vector<16xi32>
      %select_n3A_123 = arith.select %eq3A_118, %broadcast_in_dim3A_121, %broadcast_in_dim3A_122 : vector<16xi1>, vector<16xi32>
      %eq3A_124 = arith.cmpf oeq, %get3A_43, %max3A_97 : vector<16xf32>
      %jit3A_125 = arith.constant 5 : i32
      %jit3A_126 = arith.constant 16 : i32
      %broadcast_in_dim3A_127 = vector.broadcast %jit3A_125 : i32 to vector<16xi32>
      %broadcast_in_dim3A_128 = vector.broadcast %jit3A_126 : i32 to vector<16xi32>
      %select_n3A_129 = arith.select %eq3A_124, %broadcast_in_dim3A_127, %broadcast_in_dim3A_128 : vector<16xi1>, vector<16xi32>
      %eq3A_130 = arith.cmpf oeq, %get3A_47, %max3A_97 : vector<16xf32>
      %jit3A_131 = arith.constant 6 : i32
      %jit3A_132 = arith.constant 16 : i32
      %broadcast_in_dim3A_133 = vector.broadcast %jit3A_131 : i32 to vector<16xi32>
      %broadcast_in_dim3A_134 = vector.broadcast %jit3A_132 : i32 to vector<16xi32>
      %select_n3A_135 = arith.select %eq3A_130, %broadcast_in_dim3A_133, %broadcast_in_dim3A_134 : vector<16xi1>, vector<16xi32>
      %eq3A_136 = arith.cmpf oeq, %get3A_51, %max3A_97 : vector<16xf32>
      %jit3A_137 = arith.constant 7 : i32
      %jit3A_138 = arith.constant 16 : i32
      %broadcast_in_dim3A_139 = vector.broadcast %jit3A_137 : i32 to vector<16xi32>
      %broadcast_in_dim3A_140 = vector.broadcast %jit3A_138 : i32 to vector<16xi32>
      %select_n3A_141 = arith.select %eq3A_136, %broadcast_in_dim3A_139, %broadcast_in_dim3A_140 : vector<16xi1>, vector<16xi32>
      %eq3A_142 = arith.cmpf oeq, %get3A_55, %max3A_97 : vector<16xf32>
      %jit3A_143 = arith.constant 8 : i32
      %jit3A_144 = arith.constant 16 : i32
      %broadcast_in_dim3A_145 = vector.broadcast %jit3A_143 : i32 to vector<16xi32>
      %broadcast_in_dim3A_146 = vector.broadcast %jit3A_144 : i32 to vector<16xi32>
      %select_n3A_147 = arith.select %eq3A_142, %broadcast_in_dim3A_145, %broadcast_in_dim3A_146 : vector<16xi1>, vector<16xi32>
      %eq3A_148 = arith.cmpf oeq, %get3A_59, %max3A_97 : vector<16xf32>
      %jit3A_149 = arith.constant 9 : i32
      %jit3A_150 = arith.constant 16 : i32
      %broadcast_in_dim3A_151 = vector.broadcast %jit3A_149 : i32 to vector<16xi32>
      %broadcast_in_dim3A_152 = vector.broadcast %jit3A_150 : i32 to vector<16xi32>
      %select_n3A_153 = arith.select %eq3A_148, %broadcast_in_dim3A_151, %broadcast_in_dim3A_152 : vector<16xi1>, vector<16xi32>
      %eq3A_154 = arith.cmpf oeq, %get3A_63, %max3A_97 : vector<16xf32>
      %jit3A_155 = arith.constant 10 : i32
      %jit3A_156 = arith.constant 16 : i32
      %broadcast_in_dim3A_157 = vector.broadcast %jit3A_155 : i32 to vector<16xi32>
      %broadcast_in_dim3A_158 = vector.broadcast %jit3A_156 : i32 to vector<16xi32>
      %select_n3A_159 = arith.select %eq3A_154, %broadcast_in_dim3A_157, %broadcast_in_dim3A_158 : vector<16xi1>, vector<16xi32>
      %eq3A_160 = arith.cmpf oeq, %get3A_67, %max3A_97 : vector<16xf32>
      %jit3A_161 = arith.constant 11 : i32
      %jit3A_162 = arith.constant 16 : i32
      %broadcast_in_dim3A_163 = vector.broadcast %jit3A_161 : i32 to vector<16xi32>
      %broadcast_in_dim3A_164 = vector.broadcast %jit3A_162 : i32 to vector<16xi32>
      %select_n3A_165 = arith.select %eq3A_160, %broadcast_in_dim3A_163, %broadcast_in_dim3A_164 : vector<16xi1>, vector<16xi32>
      %eq3A_166 = arith.cmpf oeq, %get3A_71, %max3A_97 : vector<16xf32>
      %jit3A_167 = arith.constant 12 : i32
      %jit3A_168 = arith.constant 16 : i32
      %broadcast_in_dim3A_169 = vector.broadcast %jit3A_167 : i32 to vector<16xi32>
      %broadcast_in_dim3A_170 = vector.broadcast %jit3A_168 : i32 to vector<16xi32>
      %select_n3A_171 = arith.select %eq3A_166, %broadcast_in_dim3A_169, %broadcast_in_dim3A_170 : vector<16xi1>, vector<16xi32>
      %eq3A_172 = arith.cmpf oeq, %get3A_75, %max3A_97 : vector<16xf32>
      %jit3A_173 = arith.constant 13 : i32
      %jit3A_174 = arith.constant 16 : i32
      %broadcast_in_dim3A_175 = vector.broadcast %jit3A_173 : i32 to vector<16xi32>
      %broadcast_in_dim3A_176 = vector.broadcast %jit3A_174 : i32 to vector<16xi32>
      %select_n3A_177 = arith.select %eq3A_172, %broadcast_in_dim3A_175, %broadcast_in_dim3A_176 : vector<16xi1>, vector<16xi32>
      %eq3A_178 = arith.cmpf oeq, %get3A_79, %max3A_97 : vector<16xf32>
      %jit3A_179 = arith.constant 14 : i32
      %jit3A_180 = arith.constant 16 : i32
      %broadcast_in_dim3A_181 = vector.broadcast %jit3A_179 : i32 to vector<16xi32>
      %broadcast_in_dim3A_182 = vector.broadcast %jit3A_180 : i32 to vector<16xi32>
      %select_n3A_183 = arith.select %eq3A_178, %broadcast_in_dim3A_181, %broadcast_in_dim3A_182 : vector<16xi1>, vector<16xi32>
      %eq3A_184 = arith.cmpf oeq, %get3A_83, %max3A_97 : vector<16xf32>
      %jit3A_185 = arith.constant 15 : i32
      %jit3A_186 = arith.constant 16 : i32
      %broadcast_in_dim3A_187 = vector.broadcast %jit3A_185 : i32 to vector<16xi32>
      %broadcast_in_dim3A_188 = vector.broadcast %jit3A_186 : i32 to vector<16xi32>
      %select_n3A_189 = arith.select %eq3A_184, %broadcast_in_dim3A_187, %broadcast_in_dim3A_188 : vector<16xi1>, vector<16xi32>
      %min3A = arith.minsi %select_n3A, %select_n3A_105 : vector<16xi32>
      %min3A_190 = arith.minsi %min3A, %select_n3A_111 : vector<16xi32>
      %min3A_191 = arith.minsi %min3A_190, %select_n3A_117 : vector<16xi32>
      %min3A_192 = arith.minsi %min3A_191, %select_n3A_123 : vector<16xi32>
      %min3A_193 = arith.minsi %min3A_192, %select_n3A_129 : vector<16xi32>
      %min3A_194 = arith.minsi %min3A_193, %select_n3A_135 : vector<16xi32>
      %min3A_195 = arith.minsi %min3A_194, %select_n3A_141 : vector<16xi32>
      %min3A_196 = arith.minsi %min3A_195, %select_n3A_147 : vector<16xi32>
      %min3A_197 = arith.minsi %min3A_196, %select_n3A_153 : vector<16xi32>
      %min3A_198 = arith.minsi %min3A_197, %select_n3A_159 : vector<16xi32>
      %min3A_199 = arith.minsi %min3A_198, %select_n3A_165 : vector<16xi32>
      %min3A_200 = arith.minsi %min3A_199, %select_n3A_171 : vector<16xi32>
      %min3A_201 = arith.minsi %min3A_200, %select_n3A_177 : vector<16xi32>
      %min3A_202 = arith.minsi %min3A_201, %select_n3A_183 : vector<16xi32>
      %min3A_203 = arith.minsi %min3A_202, %select_n3A_189 : vector<16xi32>
      %eq3A_204 = arith.constant 0 : i32
      %eq3A_205 = vector.broadcast %eq3A_204 : i32 to vector<16xi32>
      %eq3A_206 = arith.cmpi eq, %min3A_203, %eq3A_205 : vector<16xi32>
      %broadcast_in_dim3A_207 = vector.broadcast %scan3A_6 : f32 to vector<16xf32>
      %select_n3A_208 = arith.select %eq3A_206, %broadcast_in_dim3A_207, %get3A_23 : vector<16xi1>, vector<16xf32>
      %eq3A_209 = arith.constant 1 : i32
      %eq3A_210 = vector.broadcast %eq3A_209 : i32 to vector<16xi32>
      %eq3A_211 = arith.cmpi eq, %min3A_203, %eq3A_210 : vector<16xi32>
      %broadcast_in_dim3A_212 = vector.broadcast %scan3A_6 : f32 to vector<16xf32>
      %select_n3A_213 = arith.select %eq3A_211, %broadcast_in_dim3A_212, %get3A_27 : vector<16xi1>, vector<16xf32>
      %eq3A_214 = arith.constant 2 : i32
      %eq3A_215 = vector.broadcast %eq3A_214 : i32 to vector<16xi32>
      %eq3A_216 = arith.cmpi eq, %min3A_203, %eq3A_215 : vector<16xi32>
      %broadcast_in_dim3A_217 = vector.broadcast %scan3A_6 : f32 to vector<16xf32>
      %select_n3A_218 = arith.select %eq3A_216, %broadcast_in_dim3A_217, %get3A_31 : vector<16xi1>, vector<16xf32>
      %eq3A_219 = arith.constant 3 : i32
      %eq3A_220 = vector.broadcast %eq3A_219 : i32 to vector<16xi32>
      %eq3A_221 = arith.cmpi eq, %min3A_203, %eq3A_220 : vector<16xi32>
      %broadcast_in_dim3A_222 = vector.broadcast %scan3A_6 : f32 to vector<16xf32>
      %select_n3A_223 = arith.select %eq3A_221, %broadcast_in_dim3A_222, %get3A_35 : vector<16xi1>, vector<16xf32>
      %eq3A_224 = arith.constant 4 : i32
      %eq3A_225 = vector.broadcast %eq3A_224 : i32 to vector<16xi32>
      %eq3A_226 = arith.cmpi eq, %min3A_203, %eq3A_225 : vector<16xi32>
      %broadcast_in_dim3A_227 = vector.broadcast %scan3A_6 : f32 to vector<16xf32>
      %select_n3A_228 = arith.select %eq3A_226, %broadcast_in_dim3A_227, %get3A_39 : vector<16xi1>, vector<16xf32>
      %eq3A_229 = arith.constant 5 : i32
      %eq3A_230 = vector.broadcast %eq3A_229 : i32 to vector<16xi32>
      %eq3A_231 = arith.cmpi eq, %min3A_203, %eq3A_230 : vector<16xi32>
      %broadcast_in_dim3A_232 = vector.broadcast %scan3A_6 : f32 to vector<16xf32>
      %select_n3A_233 = arith.select %eq3A_231, %broadcast_in_dim3A_232, %get3A_43 : vector<16xi1>, vector<16xf32>
      %eq3A_234 = arith.constant 6 : i32
      %eq3A_235 = vector.broadcast %eq3A_234 : i32 to vector<16xi32>
      %eq3A_236 = arith.cmpi eq, %min3A_203, %eq3A_235 : vector<16xi32>
      %broadcast_in_dim3A_237 = vector.broadcast %scan3A_6 : f32 to vector<16xf32>
      %select_n3A_238 = arith.select %eq3A_236, %broadcast_in_dim3A_237, %get3A_47 : vector<16xi1>, vector<16xf32>
      %eq3A_239 = arith.constant 7 : i32
      %eq3A_240 = vector.broadcast %eq3A_239 : i32 to vector<16xi32>
      %eq3A_241 = arith.cmpi eq, %min3A_203, %eq3A_240 : vector<16xi32>
      %broadcast_in_dim3A_242 = vector.broadcast %scan3A_6 : f32 to vector<16xf32>
      %select_n3A_243 = arith.select %eq3A_241, %broadcast_in_dim3A_242, %get3A_51 : vector<16xi1>, vector<16xf32>
      %eq3A_244 = arith.constant 8 : i32
      %eq3A_245 = vector.broadcast %eq3A_244 : i32 to vector<16xi32>
      %eq3A_246 = arith.cmpi eq, %min3A_203, %eq3A_245 : vector<16xi32>
      %broadcast_in_dim3A_247 = vector.broadcast %scan3A_6 : f32 to vector<16xf32>
      %select_n3A_248 = arith.select %eq3A_246, %broadcast_in_dim3A_247, %get3A_55 : vector<16xi1>, vector<16xf32>
      %eq3A_249 = arith.constant 9 : i32
      %eq3A_250 = vector.broadcast %eq3A_249 : i32 to vector<16xi32>
      %eq3A_251 = arith.cmpi eq, %min3A_203, %eq3A_250 : vector<16xi32>
      %broadcast_in_dim3A_252 = vector.broadcast %scan3A_6 : f32 to vector<16xf32>
      %select_n3A_253 = arith.select %eq3A_251, %broadcast_in_dim3A_252, %get3A_59 : vector<16xi1>, vector<16xf32>
      %eq3A_254 = arith.constant 10 : i32
      %eq3A_255 = vector.broadcast %eq3A_254 : i32 to vector<16xi32>
      %eq3A_256 = arith.cmpi eq, %min3A_203, %eq3A_255 : vector<16xi32>
      %broadcast_in_dim3A_257 = vector.broadcast %scan3A_6 : f32 to vector<16xf32>
      %select_n3A_258 = arith.select %eq3A_256, %broadcast_in_dim3A_257, %get3A_63 : vector<16xi1>, vector<16xf32>
      %eq3A_259 = arith.constant 11 : i32
      %eq3A_260 = vector.broadcast %eq3A_259 : i32 to vector<16xi32>
      %eq3A_261 = arith.cmpi eq, %min3A_203, %eq3A_260 : vector<16xi32>
      %broadcast_in_dim3A_262 = vector.broadcast %scan3A_6 : f32 to vector<16xf32>
      %select_n3A_263 = arith.select %eq3A_261, %broadcast_in_dim3A_262, %get3A_67 : vector<16xi1>, vector<16xf32>
      %eq3A_264 = arith.constant 12 : i32
      %eq3A_265 = vector.broadcast %eq3A_264 : i32 to vector<16xi32>
      %eq3A_266 = arith.cmpi eq, %min3A_203, %eq3A_265 : vector<16xi32>
      %broadcast_in_dim3A_267 = vector.broadcast %scan3A_6 : f32 to vector<16xf32>
      %select_n3A_268 = arith.select %eq3A_266, %broadcast_in_dim3A_267, %get3A_71 : vector<16xi1>, vector<16xf32>
      %eq3A_269 = arith.constant 13 : i32
      %eq3A_270 = vector.broadcast %eq3A_269 : i32 to vector<16xi32>
      %eq3A_271 = arith.cmpi eq, %min3A_203, %eq3A_270 : vector<16xi32>
      %broadcast_in_dim3A_272 = vector.broadcast %scan3A_6 : f32 to vector<16xf32>
      %select_n3A_273 = arith.select %eq3A_271, %broadcast_in_dim3A_272, %get3A_75 : vector<16xi1>, vector<16xf32>
      %eq3A_274 = arith.constant 14 : i32
      %eq3A_275 = vector.broadcast %eq3A_274 : i32 to vector<16xi32>
      %eq3A_276 = arith.cmpi eq, %min3A_203, %eq3A_275 : vector<16xi32>
      %broadcast_in_dim3A_277 = vector.broadcast %scan3A_6 : f32 to vector<16xf32>
      %select_n3A_278 = arith.select %eq3A_276, %broadcast_in_dim3A_277, %get3A_79 : vector<16xi1>, vector<16xf32>
      %eq3A_279 = arith.constant 15 : i32
      %eq3A_280 = vector.broadcast %eq3A_279 : i32 to vector<16xi32>
      %eq3A_281 = arith.cmpi eq, %min3A_203, %eq3A_280 : vector<16xi32>
      %broadcast_in_dim3A_282 = vector.broadcast %scan3A_6 : f32 to vector<16xf32>
      %select_n3A_283 = arith.select %eq3A_281, %broadcast_in_dim3A_282, %get3A_83 : vector<16xi1>, vector<16xf32>
      %max3A_284 = arith.maximumf %select_n3A_208, %select_n3A_213 : vector<16xf32>
      %max3A_285 = arith.maximumf %max3A_284, %select_n3A_218 : vector<16xf32>
      %max3A_286 = arith.maximumf %max3A_285, %select_n3A_223 : vector<16xf32>
      %max3A_287 = arith.maximumf %max3A_286, %select_n3A_228 : vector<16xf32>
      %max3A_288 = arith.maximumf %max3A_287, %select_n3A_233 : vector<16xf32>
      %max3A_289 = arith.maximumf %max3A_288, %select_n3A_238 : vector<16xf32>
      %max3A_290 = arith.maximumf %max3A_289, %select_n3A_243 : vector<16xf32>
      %max3A_291 = arith.maximumf %max3A_290, %select_n3A_248 : vector<16xf32>
      %max3A_292 = arith.maximumf %max3A_291, %select_n3A_253 : vector<16xf32>
      %max3A_293 = arith.maximumf %max3A_292, %select_n3A_258 : vector<16xf32>
      %max3A_294 = arith.maximumf %max3A_293, %select_n3A_263 : vector<16xf32>
      %max3A_295 = arith.maximumf %max3A_294, %select_n3A_268 : vector<16xf32>
      %max3A_296 = arith.maximumf %max3A_295, %select_n3A_273 : vector<16xf32>
      %max3A_297 = arith.maximumf %max3A_296, %select_n3A_278 : vector<16xf32>
      %max3A_298 = arith.maximumf %max3A_297, %select_n3A_283 : vector<16xf32>
      %eq3A_299 = arith.cmpf oeq, %select_n3A_208, %max3A_298 : vector<16xf32>
      %jit3A_300 = arith.constant 0 : i32
      %jit3A_301 = arith.constant 16 : i32
      %broadcast_in_dim3A_302 = vector.broadcast %jit3A_300 : i32 to vector<16xi32>
      %broadcast_in_dim3A_303 = vector.broadcast %jit3A_301 : i32 to vector<16xi32>
      %select_n3A_304 = arith.select %eq3A_299, %broadcast_in_dim3A_302, %broadcast_in_dim3A_303 : vector<16xi1>, vector<16xi32>
      %eq3A_305 = arith.cmpf oeq, %select_n3A_213, %max3A_298 : vector<16xf32>
      %jit3A_306 = arith.constant 1 : i32
      %jit3A_307 = arith.constant 16 : i32
      %broadcast_in_dim3A_308 = vector.broadcast %jit3A_306 : i32 to vector<16xi32>
      %broadcast_in_dim3A_309 = vector.broadcast %jit3A_307 : i32 to vector<16xi32>
      %select_n3A_310 = arith.select %eq3A_305, %broadcast_in_dim3A_308, %broadcast_in_dim3A_309 : vector<16xi1>, vector<16xi32>
      %eq3A_311 = arith.cmpf oeq, %select_n3A_218, %max3A_298 : vector<16xf32>
      %jit3A_312 = arith.constant 2 : i32
      %jit3A_313 = arith.constant 16 : i32
      %broadcast_in_dim3A_314 = vector.broadcast %jit3A_312 : i32 to vector<16xi32>
      %broadcast_in_dim3A_315 = vector.broadcast %jit3A_313 : i32 to vector<16xi32>
      %select_n3A_316 = arith.select %eq3A_311, %broadcast_in_dim3A_314, %broadcast_in_dim3A_315 : vector<16xi1>, vector<16xi32>
      %eq3A_317 = arith.cmpf oeq, %select_n3A_223, %max3A_298 : vector<16xf32>
      %jit3A_318 = arith.constant 3 : i32
      %jit3A_319 = arith.constant 16 : i32
      %broadcast_in_dim3A_320 = vector.broadcast %jit3A_318 : i32 to vector<16xi32>
      %broadcast_in_dim3A_321 = vector.broadcast %jit3A_319 : i32 to vector<16xi32>
      %select_n3A_322 = arith.select %eq3A_317, %broadcast_in_dim3A_320, %broadcast_in_dim3A_321 : vector<16xi1>, vector<16xi32>
      %eq3A_323 = arith.cmpf oeq, %select_n3A_228, %max3A_298 : vector<16xf32>
      %jit3A_324 = arith.constant 4 : i32
      %jit3A_325 = arith.constant 16 : i32
      %broadcast_in_dim3A_326 = vector.broadcast %jit3A_324 : i32 to vector<16xi32>
      %broadcast_in_dim3A_327 = vector.broadcast %jit3A_325 : i32 to vector<16xi32>
      %select_n3A_328 = arith.select %eq3A_323, %broadcast_in_dim3A_326, %broadcast_in_dim3A_327 : vector<16xi1>, vector<16xi32>
      %eq3A_329 = arith.cmpf oeq, %select_n3A_233, %max3A_298 : vector<16xf32>
      %jit3A_330 = arith.constant 5 : i32
      %jit3A_331 = arith.constant 16 : i32
      %broadcast_in_dim3A_332 = vector.broadcast %jit3A_330 : i32 to vector<16xi32>
      %broadcast_in_dim3A_333 = vector.broadcast %jit3A_331 : i32 to vector<16xi32>
      %select_n3A_334 = arith.select %eq3A_329, %broadcast_in_dim3A_332, %broadcast_in_dim3A_333 : vector<16xi1>, vector<16xi32>
      %eq3A_335 = arith.cmpf oeq, %select_n3A_238, %max3A_298 : vector<16xf32>
      %jit3A_336 = arith.constant 6 : i32
      %jit3A_337 = arith.constant 16 : i32
      %broadcast_in_dim3A_338 = vector.broadcast %jit3A_336 : i32 to vector<16xi32>
      %broadcast_in_dim3A_339 = vector.broadcast %jit3A_337 : i32 to vector<16xi32>
      %select_n3A_340 = arith.select %eq3A_335, %broadcast_in_dim3A_338, %broadcast_in_dim3A_339 : vector<16xi1>, vector<16xi32>
      %eq3A_341 = arith.cmpf oeq, %select_n3A_243, %max3A_298 : vector<16xf32>
      %jit3A_342 = arith.constant 7 : i32
      %jit3A_343 = arith.constant 16 : i32
      %broadcast_in_dim3A_344 = vector.broadcast %jit3A_342 : i32 to vector<16xi32>
      %broadcast_in_dim3A_345 = vector.broadcast %jit3A_343 : i32 to vector<16xi32>
      %select_n3A_346 = arith.select %eq3A_341, %broadcast_in_dim3A_344, %broadcast_in_dim3A_345 : vector<16xi1>, vector<16xi32>
      %eq3A_347 = arith.cmpf oeq, %select_n3A_248, %max3A_298 : vector<16xf32>
      %jit3A_348 = arith.constant 8 : i32
      %jit3A_349 = arith.constant 16 : i32
      %broadcast_in_dim3A_350 = vector.broadcast %jit3A_348 : i32 to vector<16xi32>
      %broadcast_in_dim3A_351 = vector.broadcast %jit3A_349 : i32 to vector<16xi32>
      %select_n3A_352 = arith.select %eq3A_347, %broadcast_in_dim3A_350, %broadcast_in_dim3A_351 : vector<16xi1>, vector<16xi32>
      %eq3A_353 = arith.cmpf oeq, %select_n3A_253, %max3A_298 : vector<16xf32>
      %jit3A_354 = arith.constant 9 : i32
      %jit3A_355 = arith.constant 16 : i32
      %broadcast_in_dim3A_356 = vector.broadcast %jit3A_354 : i32 to vector<16xi32>
      %broadcast_in_dim3A_357 = vector.broadcast %jit3A_355 : i32 to vector<16xi32>
      %select_n3A_358 = arith.select %eq3A_353, %broadcast_in_dim3A_356, %broadcast_in_dim3A_357 : vector<16xi1>, vector<16xi32>
      %eq3A_359 = arith.cmpf oeq, %select_n3A_258, %max3A_298 : vector<16xf32>
      %jit3A_360 = arith.constant 10 : i32
      %jit3A_361 = arith.constant 16 : i32
      %broadcast_in_dim3A_362 = vector.broadcast %jit3A_360 : i32 to vector<16xi32>
      %broadcast_in_dim3A_363 = vector.broadcast %jit3A_361 : i32 to vector<16xi32>
      %select_n3A_364 = arith.select %eq3A_359, %broadcast_in_dim3A_362, %broadcast_in_dim3A_363 : vector<16xi1>, vector<16xi32>
      %eq3A_365 = arith.cmpf oeq, %select_n3A_263, %max3A_298 : vector<16xf32>
      %jit3A_366 = arith.constant 11 : i32
      %jit3A_367 = arith.constant 16 : i32
      %broadcast_in_dim3A_368 = vector.broadcast %jit3A_366 : i32 to vector<16xi32>
      %broadcast_in_dim3A_369 = vector.broadcast %jit3A_367 : i32 to vector<16xi32>
      %select_n3A_370 = arith.select %eq3A_365, %broadcast_in_dim3A_368, %broadcast_in_dim3A_369 : vector<16xi1>, vector<16xi32>
      %eq3A_371 = arith.cmpf oeq, %select_n3A_268, %max3A_298 : vector<16xf32>
      %jit3A_372 = arith.constant 12 : i32
      %jit3A_373 = arith.constant 16 : i32
      %broadcast_in_dim3A_374 = vector.broadcast %jit3A_372 : i32 to vector<16xi32>
      %broadcast_in_dim3A_375 = vector.broadcast %jit3A_373 : i32 to vector<16xi32>
      %select_n3A_376 = arith.select %eq3A_371, %broadcast_in_dim3A_374, %broadcast_in_dim3A_375 : vector<16xi1>, vector<16xi32>
      %eq3A_377 = arith.cmpf oeq, %select_n3A_273, %max3A_298 : vector<16xf32>
      %jit3A_378 = arith.constant 13 : i32
      %jit3A_379 = arith.constant 16 : i32
      %broadcast_in_dim3A_380 = vector.broadcast %jit3A_378 : i32 to vector<16xi32>
      %broadcast_in_dim3A_381 = vector.broadcast %jit3A_379 : i32 to vector<16xi32>
      %select_n3A_382 = arith.select %eq3A_377, %broadcast_in_dim3A_380, %broadcast_in_dim3A_381 : vector<16xi1>, vector<16xi32>
      %eq3A_383 = arith.cmpf oeq, %select_n3A_278, %max3A_298 : vector<16xf32>
      %jit3A_384 = arith.constant 14 : i32
      %jit3A_385 = arith.constant 16 : i32
      %broadcast_in_dim3A_386 = vector.broadcast %jit3A_384 : i32 to vector<16xi32>
      %broadcast_in_dim3A_387 = vector.broadcast %jit3A_385 : i32 to vector<16xi32>
      %select_n3A_388 = arith.select %eq3A_383, %broadcast_in_dim3A_386, %broadcast_in_dim3A_387 : vector<16xi1>, vector<16xi32>
      %eq3A_389 = arith.cmpf oeq, %select_n3A_283, %max3A_298 : vector<16xf32>
      %jit3A_390 = arith.constant 15 : i32
      %jit3A_391 = arith.constant 16 : i32
      %broadcast_in_dim3A_392 = vector.broadcast %jit3A_390 : i32 to vector<16xi32>
      %broadcast_in_dim3A_393 = vector.broadcast %jit3A_391 : i32 to vector<16xi32>
      %select_n3A_394 = arith.select %eq3A_389, %broadcast_in_dim3A_392, %broadcast_in_dim3A_393 : vector<16xi1>, vector<16xi32>
      %min3A_395 = arith.minsi %select_n3A_304, %select_n3A_310 : vector<16xi32>
      %min3A_396 = arith.minsi %min3A_395, %select_n3A_316 : vector<16xi32>
      %min3A_397 = arith.minsi %min3A_396, %select_n3A_322 : vector<16xi32>
      %min3A_398 = arith.minsi %min3A_397, %select_n3A_328 : vector<16xi32>
      %min3A_399 = arith.minsi %min3A_398, %select_n3A_334 : vector<16xi32>
      %min3A_400 = arith.minsi %min3A_399, %select_n3A_340 : vector<16xi32>
      %min3A_401 = arith.minsi %min3A_400, %select_n3A_346 : vector<16xi32>
      %min3A_402 = arith.minsi %min3A_401, %select_n3A_352 : vector<16xi32>
      %min3A_403 = arith.minsi %min3A_402, %select_n3A_358 : vector<16xi32>
      %min3A_404 = arith.minsi %min3A_403, %select_n3A_364 : vector<16xi32>
      %min3A_405 = arith.minsi %min3A_404, %select_n3A_370 : vector<16xi32>
      %min3A_406 = arith.minsi %min3A_405, %select_n3A_376 : vector<16xi32>
      %min3A_407 = arith.minsi %min3A_406, %select_n3A_382 : vector<16xi32>
      %min3A_408 = arith.minsi %min3A_407, %select_n3A_388 : vector<16xi32>
      %min3A_409 = arith.minsi %min3A_408, %select_n3A_394 : vector<16xi32>
      %eq3A_410 = arith.constant 0 : i32
      %eq3A_411 = vector.broadcast %eq3A_410 : i32 to vector<16xi32>
      %eq3A_412 = arith.cmpi eq, %min3A_203, %eq3A_411 : vector<16xi32>
      %eq3A_413 = arith.constant 0 : i32
      %eq3A_414 = vector.broadcast %eq3A_413 : i32 to vector<16xi32>
      %eq3A_415 = arith.cmpi eq, %min3A_409, %eq3A_414 : vector<16xi32>
      %or3A = arith.ori %eq3A_412, %eq3A_415 : vector<16xi1>
      %broadcast_in_dim3A_416 = vector.broadcast %scan3A_7 : f32 to vector<16xf32>
      %broadcast_in_dim3A_417 = vector.broadcast %scan3A_8 : f32 to vector<16xf32>
      %select_n3A_418 = arith.select %or3A, %broadcast_in_dim3A_416, %broadcast_in_dim3A_417 : vector<16xi1>, vector<16xf32>
      %eq3A_419 = arith.constant 1 : i32
      %eq3A_420 = vector.broadcast %eq3A_419 : i32 to vector<16xi32>
      %eq3A_421 = arith.cmpi eq, %min3A_203, %eq3A_420 : vector<16xi32>
      %eq3A_422 = arith.constant 1 : i32
      %eq3A_423 = vector.broadcast %eq3A_422 : i32 to vector<16xi32>
      %eq3A_424 = arith.cmpi eq, %min3A_409, %eq3A_423 : vector<16xi32>
      %or3A_425 = arith.ori %eq3A_421, %eq3A_424 : vector<16xi1>
      %broadcast_in_dim3A_426 = vector.broadcast %scan3A_7 : f32 to vector<16xf32>
      %broadcast_in_dim3A_427 = vector.broadcast %scan3A_8 : f32 to vector<16xf32>
      %select_n3A_428 = arith.select %or3A_425, %broadcast_in_dim3A_426, %broadcast_in_dim3A_427 : vector<16xi1>, vector<16xf32>
      %eq3A_429 = arith.constant 2 : i32
      %eq3A_430 = vector.broadcast %eq3A_429 : i32 to vector<16xi32>
      %eq3A_431 = arith.cmpi eq, %min3A_203, %eq3A_430 : vector<16xi32>
      %eq3A_432 = arith.constant 2 : i32
      %eq3A_433 = vector.broadcast %eq3A_432 : i32 to vector<16xi32>
      %eq3A_434 = arith.cmpi eq, %min3A_409, %eq3A_433 : vector<16xi32>
      %or3A_435 = arith.ori %eq3A_431, %eq3A_434 : vector<16xi1>
      %broadcast_in_dim3A_436 = vector.broadcast %scan3A_7 : f32 to vector<16xf32>
      %broadcast_in_dim3A_437 = vector.broadcast %scan3A_8 : f32 to vector<16xf32>
      %select_n3A_438 = arith.select %or3A_435, %broadcast_in_dim3A_436, %broadcast_in_dim3A_437 : vector<16xi1>, vector<16xf32>
      %eq3A_439 = arith.constant 3 : i32
      %eq3A_440 = vector.broadcast %eq3A_439 : i32 to vector<16xi32>
      %eq3A_441 = arith.cmpi eq, %min3A_203, %eq3A_440 : vector<16xi32>
      %eq3A_442 = arith.constant 3 : i32
      %eq3A_443 = vector.broadcast %eq3A_442 : i32 to vector<16xi32>
      %eq3A_444 = arith.cmpi eq, %min3A_409, %eq3A_443 : vector<16xi32>
      %or3A_445 = arith.ori %eq3A_441, %eq3A_444 : vector<16xi1>
      %broadcast_in_dim3A_446 = vector.broadcast %scan3A_7 : f32 to vector<16xf32>
      %broadcast_in_dim3A_447 = vector.broadcast %scan3A_8 : f32 to vector<16xf32>
      %select_n3A_448 = arith.select %or3A_445, %broadcast_in_dim3A_446, %broadcast_in_dim3A_447 : vector<16xi1>, vector<16xf32>
      %eq3A_449 = arith.constant 4 : i32
      %eq3A_450 = vector.broadcast %eq3A_449 : i32 to vector<16xi32>
      %eq3A_451 = arith.cmpi eq, %min3A_203, %eq3A_450 : vector<16xi32>
      %eq3A_452 = arith.constant 4 : i32
      %eq3A_453 = vector.broadcast %eq3A_452 : i32 to vector<16xi32>
      %eq3A_454 = arith.cmpi eq, %min3A_409, %eq3A_453 : vector<16xi32>
      %or3A_455 = arith.ori %eq3A_451, %eq3A_454 : vector<16xi1>
      %broadcast_in_dim3A_456 = vector.broadcast %scan3A_7 : f32 to vector<16xf32>
      %broadcast_in_dim3A_457 = vector.broadcast %scan3A_8 : f32 to vector<16xf32>
      %select_n3A_458 = arith.select %or3A_455, %broadcast_in_dim3A_456, %broadcast_in_dim3A_457 : vector<16xi1>, vector<16xf32>
      %eq3A_459 = arith.constant 5 : i32
      %eq3A_460 = vector.broadcast %eq3A_459 : i32 to vector<16xi32>
      %eq3A_461 = arith.cmpi eq, %min3A_203, %eq3A_460 : vector<16xi32>
      %eq3A_462 = arith.constant 5 : i32
      %eq3A_463 = vector.broadcast %eq3A_462 : i32 to vector<16xi32>
      %eq3A_464 = arith.cmpi eq, %min3A_409, %eq3A_463 : vector<16xi32>
      %or3A_465 = arith.ori %eq3A_461, %eq3A_464 : vector<16xi1>
      %broadcast_in_dim3A_466 = vector.broadcast %scan3A_7 : f32 to vector<16xf32>
      %broadcast_in_dim3A_467 = vector.broadcast %scan3A_8 : f32 to vector<16xf32>
      %select_n3A_468 = arith.select %or3A_465, %broadcast_in_dim3A_466, %broadcast_in_dim3A_467 : vector<16xi1>, vector<16xf32>
      %eq3A_469 = arith.constant 6 : i32
      %eq3A_470 = vector.broadcast %eq3A_469 : i32 to vector<16xi32>
      %eq3A_471 = arith.cmpi eq, %min3A_203, %eq3A_470 : vector<16xi32>
      %eq3A_472 = arith.constant 6 : i32
      %eq3A_473 = vector.broadcast %eq3A_472 : i32 to vector<16xi32>
      %eq3A_474 = arith.cmpi eq, %min3A_409, %eq3A_473 : vector<16xi32>
      %or3A_475 = arith.ori %eq3A_471, %eq3A_474 : vector<16xi1>
      %broadcast_in_dim3A_476 = vector.broadcast %scan3A_7 : f32 to vector<16xf32>
      %broadcast_in_dim3A_477 = vector.broadcast %scan3A_8 : f32 to vector<16xf32>
      %select_n3A_478 = arith.select %or3A_475, %broadcast_in_dim3A_476, %broadcast_in_dim3A_477 : vector<16xi1>, vector<16xf32>
      %eq3A_479 = arith.constant 7 : i32
      %eq3A_480 = vector.broadcast %eq3A_479 : i32 to vector<16xi32>
      %eq3A_481 = arith.cmpi eq, %min3A_203, %eq3A_480 : vector<16xi32>
      %eq3A_482 = arith.constant 7 : i32
      %eq3A_483 = vector.broadcast %eq3A_482 : i32 to vector<16xi32>
      %eq3A_484 = arith.cmpi eq, %min3A_409, %eq3A_483 : vector<16xi32>
      %or3A_485 = arith.ori %eq3A_481, %eq3A_484 : vector<16xi1>
      %broadcast_in_dim3A_486 = vector.broadcast %scan3A_7 : f32 to vector<16xf32>
      %broadcast_in_dim3A_487 = vector.broadcast %scan3A_8 : f32 to vector<16xf32>
      %select_n3A_488 = arith.select %or3A_485, %broadcast_in_dim3A_486, %broadcast_in_dim3A_487 : vector<16xi1>, vector<16xf32>
      %eq3A_489 = arith.constant 8 : i32
      %eq3A_490 = vector.broadcast %eq3A_489 : i32 to vector<16xi32>
      %eq3A_491 = arith.cmpi eq, %min3A_203, %eq3A_490 : vector<16xi32>
      %eq3A_492 = arith.constant 8 : i32
      %eq3A_493 = vector.broadcast %eq3A_492 : i32 to vector<16xi32>
      %eq3A_494 = arith.cmpi eq, %min3A_409, %eq3A_493 : vector<16xi32>
      %or3A_495 = arith.ori %eq3A_491, %eq3A_494 : vector<16xi1>
      %broadcast_in_dim3A_496 = vector.broadcast %scan3A_7 : f32 to vector<16xf32>
      %broadcast_in_dim3A_497 = vector.broadcast %scan3A_8 : f32 to vector<16xf32>
      %select_n3A_498 = arith.select %or3A_495, %broadcast_in_dim3A_496, %broadcast_in_dim3A_497 : vector<16xi1>, vector<16xf32>
      %eq3A_499 = arith.constant 9 : i32
      %eq3A_500 = vector.broadcast %eq3A_499 : i32 to vector<16xi32>
      %eq3A_501 = arith.cmpi eq, %min3A_203, %eq3A_500 : vector<16xi32>
      %eq3A_502 = arith.constant 9 : i32
      %eq3A_503 = vector.broadcast %eq3A_502 : i32 to vector<16xi32>
      %eq3A_504 = arith.cmpi eq, %min3A_409, %eq3A_503 : vector<16xi32>
      %or3A_505 = arith.ori %eq3A_501, %eq3A_504 : vector<16xi1>
      %broadcast_in_dim3A_506 = vector.broadcast %scan3A_7 : f32 to vector<16xf32>
      %broadcast_in_dim3A_507 = vector.broadcast %scan3A_8 : f32 to vector<16xf32>
      %select_n3A_508 = arith.select %or3A_505, %broadcast_in_dim3A_506, %broadcast_in_dim3A_507 : vector<16xi1>, vector<16xf32>
      %eq3A_509 = arith.constant 10 : i32
      %eq3A_510 = vector.broadcast %eq3A_509 : i32 to vector<16xi32>
      %eq3A_511 = arith.cmpi eq, %min3A_203, %eq3A_510 : vector<16xi32>
      %eq3A_512 = arith.constant 10 : i32
      %eq3A_513 = vector.broadcast %eq3A_512 : i32 to vector<16xi32>
      %eq3A_514 = arith.cmpi eq, %min3A_409, %eq3A_513 : vector<16xi32>
      %or3A_515 = arith.ori %eq3A_511, %eq3A_514 : vector<16xi1>
      %broadcast_in_dim3A_516 = vector.broadcast %scan3A_7 : f32 to vector<16xf32>
      %broadcast_in_dim3A_517 = vector.broadcast %scan3A_8 : f32 to vector<16xf32>
      %select_n3A_518 = arith.select %or3A_515, %broadcast_in_dim3A_516, %broadcast_in_dim3A_517 : vector<16xi1>, vector<16xf32>
      %eq3A_519 = arith.constant 11 : i32
      %eq3A_520 = vector.broadcast %eq3A_519 : i32 to vector<16xi32>
      %eq3A_521 = arith.cmpi eq, %min3A_203, %eq3A_520 : vector<16xi32>
      %eq3A_522 = arith.constant 11 : i32
      %eq3A_523 = vector.broadcast %eq3A_522 : i32 to vector<16xi32>
      %eq3A_524 = arith.cmpi eq, %min3A_409, %eq3A_523 : vector<16xi32>
      %or3A_525 = arith.ori %eq3A_521, %eq3A_524 : vector<16xi1>
      %broadcast_in_dim3A_526 = vector.broadcast %scan3A_7 : f32 to vector<16xf32>
      %broadcast_in_dim3A_527 = vector.broadcast %scan3A_8 : f32 to vector<16xf32>
      %select_n3A_528 = arith.select %or3A_525, %broadcast_in_dim3A_526, %broadcast_in_dim3A_527 : vector<16xi1>, vector<16xf32>
      %eq3A_529 = arith.constant 12 : i32
      %eq3A_530 = vector.broadcast %eq3A_529 : i32 to vector<16xi32>
      %eq3A_531 = arith.cmpi eq, %min3A_203, %eq3A_530 : vector<16xi32>
      %eq3A_532 = arith.constant 12 : i32
      %eq3A_533 = vector.broadcast %eq3A_532 : i32 to vector<16xi32>
      %eq3A_534 = arith.cmpi eq, %min3A_409, %eq3A_533 : vector<16xi32>
      %or3A_535 = arith.ori %eq3A_531, %eq3A_534 : vector<16xi1>
      %broadcast_in_dim3A_536 = vector.broadcast %scan3A_7 : f32 to vector<16xf32>
      %broadcast_in_dim3A_537 = vector.broadcast %scan3A_8 : f32 to vector<16xf32>
      %select_n3A_538 = arith.select %or3A_535, %broadcast_in_dim3A_536, %broadcast_in_dim3A_537 : vector<16xi1>, vector<16xf32>
      %eq3A_539 = arith.constant 13 : i32
      %eq3A_540 = vector.broadcast %eq3A_539 : i32 to vector<16xi32>
      %eq3A_541 = arith.cmpi eq, %min3A_203, %eq3A_540 : vector<16xi32>
      %eq3A_542 = arith.constant 13 : i32
      %eq3A_543 = vector.broadcast %eq3A_542 : i32 to vector<16xi32>
      %eq3A_544 = arith.cmpi eq, %min3A_409, %eq3A_543 : vector<16xi32>
      %or3A_545 = arith.ori %eq3A_541, %eq3A_544 : vector<16xi1>
      %broadcast_in_dim3A_546 = vector.broadcast %scan3A_7 : f32 to vector<16xf32>
      %broadcast_in_dim3A_547 = vector.broadcast %scan3A_8 : f32 to vector<16xf32>
      %select_n3A_548 = arith.select %or3A_545, %broadcast_in_dim3A_546, %broadcast_in_dim3A_547 : vector<16xi1>, vector<16xf32>
      %eq3A_549 = arith.constant 14 : i32
      %eq3A_550 = vector.broadcast %eq3A_549 : i32 to vector<16xi32>
      %eq3A_551 = arith.cmpi eq, %min3A_203, %eq3A_550 : vector<16xi32>
      %eq3A_552 = arith.constant 14 : i32
      %eq3A_553 = vector.broadcast %eq3A_552 : i32 to vector<16xi32>
      %eq3A_554 = arith.cmpi eq, %min3A_409, %eq3A_553 : vector<16xi32>
      %or3A_555 = arith.ori %eq3A_551, %eq3A_554 : vector<16xi1>
      %broadcast_in_dim3A_556 = vector.broadcast %scan3A_7 : f32 to vector<16xf32>
      %broadcast_in_dim3A_557 = vector.broadcast %scan3A_8 : f32 to vector<16xf32>
      %select_n3A_558 = arith.select %or3A_555, %broadcast_in_dim3A_556, %broadcast_in_dim3A_557 : vector<16xi1>, vector<16xf32>
      %eq3A_559 = arith.constant 15 : i32
      %eq3A_560 = vector.broadcast %eq3A_559 : i32 to vector<16xi32>
      %eq3A_561 = arith.cmpi eq, %min3A_203, %eq3A_560 : vector<16xi32>
      %eq3A_562 = arith.constant 15 : i32
      %eq3A_563 = vector.broadcast %eq3A_562 : i32 to vector<16xi32>
      %eq3A_564 = arith.cmpi eq, %min3A_409, %eq3A_563 : vector<16xi32>
      %or3A_565 = arith.ori %eq3A_561, %eq3A_564 : vector<16xi1>
      %broadcast_in_dim3A_566 = vector.broadcast %scan3A_7 : f32 to vector<16xf32>
      %broadcast_in_dim3A_567 = vector.broadcast %scan3A_8 : f32 to vector<16xf32>
      %select_n3A_568 = arith.select %or3A_565, %broadcast_in_dim3A_566, %broadcast_in_dim3A_567 : vector<16xi1>, vector<16xf32>
      %mul3A_569 = arith.mulf %select_n3A_418, %get3A_23 : vector<16xf32>
      %mul3A_570 = arith.mulf %select_n3A_428, %get3A_27 : vector<16xf32>
      %mul3A_571 = arith.mulf %select_n3A_438, %get3A_31 : vector<16xf32>
      %mul3A_572 = arith.mulf %select_n3A_448, %get3A_35 : vector<16xf32>
      %mul3A_573 = arith.mulf %select_n3A_458, %get3A_39 : vector<16xf32>
      %mul3A_574 = arith.mulf %select_n3A_468, %get3A_43 : vector<16xf32>
      %mul3A_575 = arith.mulf %select_n3A_478, %get3A_47 : vector<16xf32>
      %mul3A_576 = arith.mulf %select_n3A_488, %get3A_51 : vector<16xf32>
      %mul3A_577 = arith.mulf %select_n3A_498, %get3A_55 : vector<16xf32>
      %mul3A_578 = arith.mulf %select_n3A_508, %get3A_59 : vector<16xf32>
      %mul3A_579 = arith.mulf %select_n3A_518, %get3A_63 : vector<16xf32>
      %mul3A_580 = arith.mulf %select_n3A_528, %get3A_67 : vector<16xf32>
      %mul3A_581 = arith.mulf %select_n3A_538, %get3A_71 : vector<16xf32>
      %mul3A_582 = arith.mulf %select_n3A_548, %get3A_75 : vector<16xf32>
      %mul3A_583 = arith.mulf %select_n3A_558, %get3A_79 : vector<16xf32>
      %mul3A_584 = arith.mulf %select_n3A_568, %get3A_83 : vector<16xf32>
      %max3A_585 = arith.maximumf %mul3A_569, %mul3A_570 : vector<16xf32>
      %max3A_586 = arith.maximumf %max3A_585, %mul3A_571 : vector<16xf32>
      %max3A_587 = arith.maximumf %max3A_586, %mul3A_572 : vector<16xf32>
      %max3A_588 = arith.maximumf %max3A_587, %mul3A_573 : vector<16xf32>
      %max3A_589 = arith.maximumf %max3A_588, %mul3A_574 : vector<16xf32>
      %max3A_590 = arith.maximumf %max3A_589, %mul3A_575 : vector<16xf32>
      %max3A_591 = arith.maximumf %max3A_590, %mul3A_576 : vector<16xf32>
      %max3A_592 = arith.maximumf %max3A_591, %mul3A_577 : vector<16xf32>
      %max3A_593 = arith.maximumf %max3A_592, %mul3A_578 : vector<16xf32>
      %max3A_594 = arith.maximumf %max3A_593, %mul3A_579 : vector<16xf32>
      %max3A_595 = arith.maximumf %max3A_594, %mul3A_580 : vector<16xf32>
      %max3A_596 = arith.maximumf %max3A_595, %mul3A_581 : vector<16xf32>
      %max3A_597 = arith.maximumf %max3A_596, %mul3A_582 : vector<16xf32>
      %max3A_598 = arith.maximumf %max3A_597, %mul3A_583 : vector<16xf32>
      %max3A_599 = arith.maximumf %max3A_598, %mul3A_584 : vector<16xf32>
      %sub3A = arith.subf %mul3A_569, %max3A_599 : vector<16xf32>
      %exp3A = math.exp %sub3A : vector<16xf32>
      %sub3A_600 = arith.subf %mul3A_570, %max3A_599 : vector<16xf32>
      %exp3A_601 = math.exp %sub3A_600 : vector<16xf32>
      %sub3A_602 = arith.subf %mul3A_571, %max3A_599 : vector<16xf32>
      %exp3A_603 = math.exp %sub3A_602 : vector<16xf32>
      %sub3A_604 = arith.subf %mul3A_572, %max3A_599 : vector<16xf32>
      %exp3A_605 = math.exp %sub3A_604 : vector<16xf32>
      %sub3A_606 = arith.subf %mul3A_573, %max3A_599 : vector<16xf32>
      %exp3A_607 = math.exp %sub3A_606 : vector<16xf32>
      %sub3A_608 = arith.subf %mul3A_574, %max3A_599 : vector<16xf32>
      %exp3A_609 = math.exp %sub3A_608 : vector<16xf32>
      %sub3A_610 = arith.subf %mul3A_575, %max3A_599 : vector<16xf32>
      %exp3A_611 = math.exp %sub3A_610 : vector<16xf32>
      %sub3A_612 = arith.subf %mul3A_576, %max3A_599 : vector<16xf32>
      %exp3A_613 = math.exp %sub3A_612 : vector<16xf32>
      %sub3A_614 = arith.subf %mul3A_577, %max3A_599 : vector<16xf32>
      %exp3A_615 = math.exp %sub3A_614 : vector<16xf32>
      %sub3A_616 = arith.subf %mul3A_578, %max3A_599 : vector<16xf32>
      %exp3A_617 = math.exp %sub3A_616 : vector<16xf32>
      %sub3A_618 = arith.subf %mul3A_579, %max3A_599 : vector<16xf32>
      %exp3A_619 = math.exp %sub3A_618 : vector<16xf32>
      %sub3A_620 = arith.subf %mul3A_580, %max3A_599 : vector<16xf32>
      %exp3A_621 = math.exp %sub3A_620 : vector<16xf32>
      %sub3A_622 = arith.subf %mul3A_581, %max3A_599 : vector<16xf32>
      %exp3A_623 = math.exp %sub3A_622 : vector<16xf32>
      %sub3A_624 = arith.subf %mul3A_582, %max3A_599 : vector<16xf32>
      %exp3A_625 = math.exp %sub3A_624 : vector<16xf32>
      %sub3A_626 = arith.subf %mul3A_583, %max3A_599 : vector<16xf32>
      %exp3A_627 = math.exp %sub3A_626 : vector<16xf32>
      %sub3A_628 = arith.subf %mul3A_584, %max3A_599 : vector<16xf32>
      %exp3A_629 = math.exp %sub3A_628 : vector<16xf32>
      %add3A_630 = arith.addf %exp3A, %exp3A_601 : vector<16xf32>
      %add3A_631 = arith.addf %add3A_630, %exp3A_603 : vector<16xf32>
      %add3A_632 = arith.addf %add3A_631, %exp3A_605 : vector<16xf32>
      %add3A_633 = arith.addf %add3A_632, %exp3A_607 : vector<16xf32>
      %add3A_634 = arith.addf %add3A_633, %exp3A_609 : vector<16xf32>
      %add3A_635 = arith.addf %add3A_634, %exp3A_611 : vector<16xf32>
      %add3A_636 = arith.addf %add3A_635, %exp3A_613 : vector<16xf32>
      %add3A_637 = arith.addf %add3A_636, %exp3A_615 : vector<16xf32>
      %add3A_638 = arith.addf %add3A_637, %exp3A_617 : vector<16xf32>
      %add3A_639 = arith.addf %add3A_638, %exp3A_619 : vector<16xf32>
      %add3A_640 = arith.addf %add3A_639, %exp3A_621 : vector<16xf32>
      %add3A_641 = arith.addf %add3A_640, %exp3A_623 : vector<16xf32>
      %add3A_642 = arith.addf %add3A_641, %exp3A_625 : vector<16xf32>
      %add3A_643 = arith.addf %add3A_642, %exp3A_627 : vector<16xf32>
      %add3A_644 = arith.addf %add3A_643, %exp3A_629 : vector<16xf32>
      %div3A = vector.broadcast %scan3A_7 : f32 to vector<16xf32>
      %div3A_645 = arith.divf %div3A, %add3A_644 : vector<16xf32>
      %mul3A_646 = arith.constant 256 : i32
      %mul3A_647 = arith.muli %scan3A_18, %mul3A_646 : i32
      %add3A_648 = vector.broadcast %mul3A_647 : i32 to vector<16xi32>
      %add3A_649 = arith.addi %add3A_648, %mul3A_5 : vector<16xi32>
      %add3A_650 = arith.constant 0 : i32
      %add3A_651 = vector.broadcast %add3A_650 : i32 to vector<16xi32>
      %add3A_652 = arith.addi %add3A_649, %add3A_651 : vector<16xi32>
      tpu.vector_store_idx %arg6[%add3A_652], %select_n3A_418 : memref<4096xf32, #tpu.memory_space<vmem>>[vector<16xi32>], vector<16xf32>,
      %add3A_653 = arith.constant 0 : i32
      %add3A_654 = vector.broadcast %add3A_653 : i32 to vector<16xi32>
      %add3A_655 = arith.addi %add3A_649, %add3A_654 : vector<16xi32>
      %mul3A_656 = arith.mulf %exp3A, %div3A_645 : vector<16xf32>
      tpu.vector_store_idx %arg7[%add3A_655], %mul3A_656 : memref<4096xf32, #tpu.memory_space<vmem>>[vector<16xi32>], vector<16xf32>,
      %add3A_657 = arith.constant 1 : i32
      %add3A_658 = vector.broadcast %add3A_657 : i32 to vector<16xi32>
      %add3A_659 = arith.addi %add3A_649, %add3A_658 : vector<16xi32>
      tpu.vector_store_idx %arg6[%add3A_659], %select_n3A_428 : memref<4096xf32, #tpu.memory_space<vmem>>[vector<16xi32>], vector<16xf32>,
      %add3A_660 = arith.constant 1 : i32
      %add3A_661 = vector.broadcast %add3A_660 : i32 to vector<16xi32>
      %add3A_662 = arith.addi %add3A_649, %add3A_661 : vector<16xi32>
      %mul3A_663 = arith.mulf %exp3A_601, %div3A_645 : vector<16xf32>
      tpu.vector_store_idx %arg7[%add3A_662], %mul3A_663 : memref<4096xf32, #tpu.memory_space<vmem>>[vector<16xi32>], vector<16xf32>,
      %add3A_664 = arith.constant 2 : i32
      %add3A_665 = vector.broadcast %add3A_664 : i32 to vector<16xi32>
      %add3A_666 = arith.addi %add3A_649, %add3A_665 : vector<16xi32>
      tpu.vector_store_idx %arg6[%add3A_666], %select_n3A_438 : memref<4096xf32, #tpu.memory_space<vmem>>[vector<16xi32>], vector<16xf32>,
      %add3A_667 = arith.constant 2 : i32
      %add3A_668 = vector.broadcast %add3A_667 : i32 to vector<16xi32>
      %add3A_669 = arith.addi %add3A_649, %add3A_668 : vector<16xi32>
      %mul3A_670 = arith.mulf %exp3A_603, %div3A_645 : vector<16xf32>
      tpu.vector_store_idx %arg7[%add3A_669], %mul3A_670 : memref<4096xf32, #tpu.memory_space<vmem>>[vector<16xi32>], vector<16xf32>,
      %add3A_671 = arith.constant 3 : i32
      %add3A_672 = vector.broadcast %add3A_671 : i32 to vector<16xi32>
      %add3A_673 = arith.addi %add3A_649, %add3A_672 : vector<16xi32>
      tpu.vector_store_idx %arg6[%add3A_673], %select_n3A_448 : memref<4096xf32, #tpu.memory_space<vmem>>[vector<16xi32>], vector<16xf32>,
      %add3A_674 = arith.constant 3 : i32
      %add3A_675 = vector.broadcast %add3A_674 : i32 to vector<16xi32>
      %add3A_676 = arith.addi %add3A_649, %add3A_675 : vector<16xi32>
      %mul3A_677 = arith.mulf %exp3A_605, %div3A_645 : vector<16xf32>
      tpu.vector_store_idx %arg7[%add3A_676], %mul3A_677 : memref<4096xf32, #tpu.memory_space<vmem>>[vector<16xi32>], vector<16xf32>,
      %add3A_678 = arith.constant 4 : i32
      %add3A_679 = vector.broadcast %add3A_678 : i32 to vector<16xi32>
      %add3A_680 = arith.addi %add3A_649, %add3A_679 : vector<16xi32>
      tpu.vector_store_idx %arg6[%add3A_680], %select_n3A_458 : memref<4096xf32, #tpu.memory_space<vmem>>[vector<16xi32>], vector<16xf32>,
      %add3A_681 = arith.constant 4 : i32
      %add3A_682 = vector.broadcast %add3A_681 : i32 to vector<16xi32>
      %add3A_683 = arith.addi %add3A_649, %add3A_682 : vector<16xi32>
      %mul3A_684 = arith.mulf %exp3A_607, %div3A_645 : vector<16xf32>
      tpu.vector_store_idx %arg7[%add3A_683], %mul3A_684 : memref<4096xf32, #tpu.memory_space<vmem>>[vector<16xi32>], vector<16xf32>,
      %add3A_685 = arith.constant 5 : i32
      %add3A_686 = vector.broadcast %add3A_685 : i32 to vector<16xi32>
      %add3A_687 = arith.addi %add3A_649, %add3A_686 : vector<16xi32>
      tpu.vector_store_idx %arg6[%add3A_687], %select_n3A_468 : memref<4096xf32, #tpu.memory_space<vmem>>[vector<16xi32>], vector<16xf32>,
      %add3A_688 = arith.constant 5 : i32
      %add3A_689 = vector.broadcast %add3A_688 : i32 to vector<16xi32>
      %add3A_690 = arith.addi %add3A_649, %add3A_689 : vector<16xi32>
      %mul3A_691 = arith.mulf %exp3A_609, %div3A_645 : vector<16xf32>
      tpu.vector_store_idx %arg7[%add3A_690], %mul3A_691 : memref<4096xf32, #tpu.memory_space<vmem>>[vector<16xi32>], vector<16xf32>,
      %add3A_692 = arith.constant 6 : i32
      %add3A_693 = vector.broadcast %add3A_692 : i32 to vector<16xi32>
      %add3A_694 = arith.addi %add3A_649, %add3A_693 : vector<16xi32>
      tpu.vector_store_idx %arg6[%add3A_694], %select_n3A_478 : memref<4096xf32, #tpu.memory_space<vmem>>[vector<16xi32>], vector<16xf32>,
      %add3A_695 = arith.constant 6 : i32
      %add3A_696 = vector.broadcast %add3A_695 : i32 to vector<16xi32>
      %add3A_697 = arith.addi %add3A_649, %add3A_696 : vector<16xi32>
      %mul3A_698 = arith.mulf %exp3A_611, %div3A_645 : vector<16xf32>
      tpu.vector_store_idx %arg7[%add3A_697], %mul3A_698 : memref<4096xf32, #tpu.memory_space<vmem>>[vector<16xi32>], vector<16xf32>,
      %add3A_699 = arith.constant 7 : i32
      %add3A_700 = vector.broadcast %add3A_699 : i32 to vector<16xi32>
      %add3A_701 = arith.addi %add3A_649, %add3A_700 : vector<16xi32>
      tpu.vector_store_idx %arg6[%add3A_701], %select_n3A_488 : memref<4096xf32, #tpu.memory_space<vmem>>[vector<16xi32>], vector<16xf32>,
      %add3A_702 = arith.constant 7 : i32
      %add3A_703 = vector.broadcast %add3A_702 : i32 to vector<16xi32>
      %add3A_704 = arith.addi %add3A_649, %add3A_703 : vector<16xi32>
      %mul3A_705 = arith.mulf %exp3A_613, %div3A_645 : vector<16xf32>
      tpu.vector_store_idx %arg7[%add3A_704], %mul3A_705 : memref<4096xf32, #tpu.memory_space<vmem>>[vector<16xi32>], vector<16xf32>,
      %add3A_706 = arith.constant 8 : i32
      %add3A_707 = vector.broadcast %add3A_706 : i32 to vector<16xi32>
      %add3A_708 = arith.addi %add3A_649, %add3A_707 : vector<16xi32>
      tpu.vector_store_idx %arg6[%add3A_708], %select_n3A_498 : memref<4096xf32, #tpu.memory_space<vmem>>[vector<16xi32>], vector<16xf32>,
      %add3A_709 = arith.constant 8 : i32
      %add3A_710 = vector.broadcast %add3A_709 : i32 to vector<16xi32>
      %add3A_711 = arith.addi %add3A_649, %add3A_710 : vector<16xi32>
      %mul3A_712 = arith.mulf %exp3A_615, %div3A_645 : vector<16xf32>
      tpu.vector_store_idx %arg7[%add3A_711], %mul3A_712 : memref<4096xf32, #tpu.memory_space<vmem>>[vector<16xi32>], vector<16xf32>,
      %add3A_713 = arith.constant 9 : i32
      %add3A_714 = vector.broadcast %add3A_713 : i32 to vector<16xi32>
      %add3A_715 = arith.addi %add3A_649, %add3A_714 : vector<16xi32>
      tpu.vector_store_idx %arg6[%add3A_715], %select_n3A_508 : memref<4096xf32, #tpu.memory_space<vmem>>[vector<16xi32>], vector<16xf32>,
      %add3A_716 = arith.constant 9 : i32
      %add3A_717 = vector.broadcast %add3A_716 : i32 to vector<16xi32>
      %add3A_718 = arith.addi %add3A_649, %add3A_717 : vector<16xi32>
      %mul3A_719 = arith.mulf %exp3A_617, %div3A_645 : vector<16xf32>
      tpu.vector_store_idx %arg7[%add3A_718], %mul3A_719 : memref<4096xf32, #tpu.memory_space<vmem>>[vector<16xi32>], vector<16xf32>,
      %add3A_720 = arith.constant 10 : i32
      %add3A_721 = vector.broadcast %add3A_720 : i32 to vector<16xi32>
      %add3A_722 = arith.addi %add3A_649, %add3A_721 : vector<16xi32>
      tpu.vector_store_idx %arg6[%add3A_722], %select_n3A_518 : memref<4096xf32, #tpu.memory_space<vmem>>[vector<16xi32>], vector<16xf32>,
      %add3A_723 = arith.constant 10 : i32
      %add3A_724 = vector.broadcast %add3A_723 : i32 to vector<16xi32>
      %add3A_725 = arith.addi %add3A_649, %add3A_724 : vector<16xi32>
      %mul3A_726 = arith.mulf %exp3A_619, %div3A_645 : vector<16xf32>
      tpu.vector_store_idx %arg7[%add3A_725], %mul3A_726 : memref<4096xf32, #tpu.memory_space<vmem>>[vector<16xi32>], vector<16xf32>,
      %add3A_727 = arith.constant 11 : i32
      %add3A_728 = vector.broadcast %add3A_727 : i32 to vector<16xi32>
      %add3A_729 = arith.addi %add3A_649, %add3A_728 : vector<16xi32>
      tpu.vector_store_idx %arg6[%add3A_729], %select_n3A_528 : memref<4096xf32, #tpu.memory_space<vmem>>[vector<16xi32>], vector<16xf32>,
      %add3A_730 = arith.constant 11 : i32
      %add3A_731 = vector.broadcast %add3A_730 : i32 to vector<16xi32>
      %add3A_732 = arith.addi %add3A_649, %add3A_731 : vector<16xi32>
      %mul3A_733 = arith.mulf %exp3A_621, %div3A_645 : vector<16xf32>
      tpu.vector_store_idx %arg7[%add3A_732], %mul3A_733 : memref<4096xf32, #tpu.memory_space<vmem>>[vector<16xi32>], vector<16xf32>,
      %add3A_734 = arith.constant 12 : i32
      %add3A_735 = vector.broadcast %add3A_734 : i32 to vector<16xi32>
      %add3A_736 = arith.addi %add3A_649, %add3A_735 : vector<16xi32>
      tpu.vector_store_idx %arg6[%add3A_736], %select_n3A_538 : memref<4096xf32, #tpu.memory_space<vmem>>[vector<16xi32>], vector<16xf32>,
      %add3A_737 = arith.constant 12 : i32
      %add3A_738 = vector.broadcast %add3A_737 : i32 to vector<16xi32>
      %add3A_739 = arith.addi %add3A_649, %add3A_738 : vector<16xi32>
      %mul3A_740 = arith.mulf %exp3A_623, %div3A_645 : vector<16xf32>
      tpu.vector_store_idx %arg7[%add3A_739], %mul3A_740 : memref<4096xf32, #tpu.memory_space<vmem>>[vector<16xi32>], vector<16xf32>,
      %add3A_741 = arith.constant 13 : i32
      %add3A_742 = vector.broadcast %add3A_741 : i32 to vector<16xi32>
      %add3A_743 = arith.addi %add3A_649, %add3A_742 : vector<16xi32>
      tpu.vector_store_idx %arg6[%add3A_743], %select_n3A_548 : memref<4096xf32, #tpu.memory_space<vmem>>[vector<16xi32>], vector<16xf32>,
      %add3A_744 = arith.constant 13 : i32
      %add3A_745 = vector.broadcast %add3A_744 : i32 to vector<16xi32>
      %add3A_746 = arith.addi %add3A_649, %add3A_745 : vector<16xi32>
      %mul3A_747 = arith.mulf %exp3A_625, %div3A_645 : vector<16xf32>
      tpu.vector_store_idx %arg7[%add3A_746], %mul3A_747 : memref<4096xf32, #tpu.memory_space<vmem>>[vector<16xi32>], vector<16xf32>,
      %add3A_748 = arith.constant 14 : i32
      %add3A_749 = vector.broadcast %add3A_748 : i32 to vector<16xi32>
      %add3A_750 = arith.addi %add3A_649, %add3A_749 : vector<16xi32>
      tpu.vector_store_idx %arg6[%add3A_750], %select_n3A_558 : memref<4096xf32, #tpu.memory_space<vmem>>[vector<16xi32>], vector<16xf32>,
      %add3A_751 = arith.constant 14 : i32
      %add3A_752 = vector.broadcast %add3A_751 : i32 to vector<16xi32>
      %add3A_753 = arith.addi %add3A_649, %add3A_752 : vector<16xi32>
      %mul3A_754 = arith.mulf %exp3A_627, %div3A_645 : vector<16xf32>
      tpu.vector_store_idx %arg7[%add3A_753], %mul3A_754 : memref<4096xf32, #tpu.memory_space<vmem>>[vector<16xi32>], vector<16xf32>,
      %add3A_755 = arith.constant 15 : i32
      %add3A_756 = vector.broadcast %add3A_755 : i32 to vector<16xi32>
      %add3A_757 = arith.addi %add3A_649, %add3A_756 : vector<16xi32>
      tpu.vector_store_idx %arg6[%add3A_757], %select_n3A_568 : memref<4096xf32, #tpu.memory_space<vmem>>[vector<16xi32>], vector<16xf32>,
      %add3A_758 = arith.constant 15 : i32
      %add3A_759 = vector.broadcast %add3A_758 : i32 to vector<16xi32>
      %add3A_760 = arith.addi %add3A_649, %add3A_759 : vector<16xi32>
      %mul3A_761 = arith.mulf %exp3A_629, %div3A_645 : vector<16xf32>
      tpu.vector_store_idx %arg7[%add3A_760], %mul3A_761 : memref<4096xf32, #tpu.memory_space<vmem>>[vector<16xi32>], vector<16xf32>,
    }
    %scan3A_13 = arith.constant 16 : i32
    %mul3A_14 = arith.constant 16 : i32
    %mul3A_15 = arith.muli %mul3A_2, %mul3A_14 : i32
    "tpu.region"() ({
      %run_scoped3A = tpu.sem_alloc : memref<!tpu.dma_semaphore, #tpu.memory_space<semaphore_mem>>
      %dma_start3A = tpu.memref_slice %arg3[%mul3A_15] : memref<131072xf32, #tpu.memory_space<hbm>> -> memref<4096xf32, #tpu.memory_space<hbm>>
      %dma_start3A_18 = tpu.memref_slice %arg3[%mul3A_15] : memref<131072xf32, #tpu.memory_space<hbm>> -> memref<4096xf32, #tpu.memory_space<hbm>>
      tpu.enqueue_dma source(%arg6 : memref<4096xf32, #tpu.memory_space<vmem>>) target(%dma_start3A_18 : memref<4096xf32, #tpu.memory_space<hbm>>) target_semaphore(%run_scoped3A : memref<!tpu.dma_semaphore, #tpu.memory_space<semaphore_mem>>)
      %dma_wait3A = tpu.memref_slice %arg3[%mul3A_15] : memref<131072xf32, #tpu.memory_space<hbm>> -> memref<4096xf32, #tpu.memory_space<hbm>>
      %dma_wait3A_19 = tpu.memref_slice %arg3[%mul3A_15] : memref<131072xf32, #tpu.memory_space<hbm>> -> memref<4096xf32, #tpu.memory_space<hbm>>
      tpu.wait_dma2 semaphore(%run_scoped3A : memref<!tpu.dma_semaphore, #tpu.memory_space<semaphore_mem>>) src(%arg6 : memref<4096xf32, #tpu.memory_space<vmem>>) dst(%dma_wait3A_19 : memref<4096xf32, #tpu.memory_space<hbm>>)
      tpu.yield
    }) : () -> ()
    %mul3A_16 = arith.constant 16 : i32
    %mul3A_17 = arith.muli %mul3A_2, %mul3A_16 : i32
    "tpu.region"() ({
      %run_scoped3A = tpu.sem_alloc : memref<!tpu.dma_semaphore, #tpu.memory_space<semaphore_mem>>
      %dma_start3A = tpu.memref_slice %arg4[%mul3A_17] : memref<131072xf32, #tpu.memory_space<hbm>> -> memref<4096xf32, #tpu.memory_space<hbm>>
      %dma_start3A_18 = tpu.memref_slice %arg4[%mul3A_17] : memref<131072xf32, #tpu.memory_space<hbm>> -> memref<4096xf32, #tpu.memory_space<hbm>>
      tpu.enqueue_dma source(%arg7 : memref<4096xf32, #tpu.memory_space<vmem>>) target(%dma_start3A_18 : memref<4096xf32, #tpu.memory_space<hbm>>) target_semaphore(%run_scoped3A : memref<!tpu.dma_semaphore, #tpu.memory_space<semaphore_mem>>)
      %dma_wait3A = tpu.memref_slice %arg4[%mul3A_17] : memref<131072xf32, #tpu.memory_space<hbm>> -> memref<4096xf32, #tpu.memory_space<hbm>>
      %dma_wait3A_19 = tpu.memref_slice %arg4[%mul3A_17] : memref<131072xf32, #tpu.memory_space<hbm>> -> memref<4096xf32, #tpu.memory_space<hbm>>
      tpu.wait_dma2 semaphore(%run_scoped3A : memref<!tpu.dma_semaphore, #tpu.memory_space<semaphore_mem>>) src(%arg7 : memref<4096xf32, #tpu.memory_space<vmem>>) dst(%dma_wait3A_19 : memref<4096xf32, #tpu.memory_space<hbm>>)
      tpu.yield
    }) : () -> ()
    return
  }
}

module attributes {stable_mosaic.version = 14 : i64} {
  func.func @_logits_tc_body(%arg0: i32, %arg1: memref<16x2048xf32, #tpu.memory_space<vmem>>, %arg2: memref<1024x2048xf32, #tpu.memory_space<vmem>>, %arg3: memref<16x1xf32, #tpu.memory_space<vmem>>, %arg4: memref<16x1024xf32, #tpu.memory_space<vmem>>) attributes {dimension_semantics = [#tpu.dimension_semantics<arbitrary>], iteration_bounds = array<i64: 8>, scalar_prefetch = 0 : i64, scratch_operands = 0 : i64, tpu.core_type = #tpu.core_type<tc>, window_params = [{pipeline_mode = #tpu.pipeline_mode<synchronous>, transform_indices = @transform_0, window_bounds = array<i64: 16, 2048>}, {transform_indices = @transform_1, window_bounds = array<i64: 1024, 2048>}, {pipeline_mode = #tpu.pipeline_mode<synchronous>, transform_indices = @transform_2, window_bounds = array<i64: 16, 1>}, {transform_indices = @transform_3, window_bounds = array<i64: 16, 1024>}]} {
    %get3A = arith.constant 0 : index
    %get3A_0 = arith.constant 0 : index
    %get3A_1 = vector.load %arg1[%get3A, %get3A_0] : memref<16x2048xf32, #tpu.memory_space<vmem>>, vector<16x2048xf32>
    %convert_element_type3A = arith.truncf %get3A_1 : vector<16x2048xf32> to vector<16x2048xbf16>
    %get3A_2 = arith.constant 0 : index
    %get3A_3 = arith.constant 0 : index
    %get3A_4 = vector.load %arg2[%get3A_2, %get3A_3] : memref<1024x2048xf32, #tpu.memory_space<vmem>>, vector<1024x2048xf32>
    %convert_element_type3A_5 = arith.truncf %get3A_4 : vector<1024x2048xf32> to vector<1024x2048xbf16>
    %dot_general3A = arith.constant dense<0.000000e+00> : vector<16x1024xf32>
    %dot_general3A_6 = tpu.matmul %convert_element_type3A, %convert_element_type3A_5, %dot_general3A {dimension_numbers = #tpu.dot_dimension_numbers<[1], [1], [0], [0], [0, 0, 1, 0], [], []>, transpose_lhs_hint = false} : vector<16x2048xbf16>, vector<1024x2048xbf16>, vector<16x1024xf32> -> vector<16x1024xf32>
    %get3A_7 = arith.constant 0 : index
    %get3A_8 = arith.constant 0 : index
    %get3A_9 = vector.load %arg3[%get3A_7, %get3A_8] : memref<16x1xf32, #tpu.memory_space<vmem>>, vector<16x1xf32>
    %add3A = vector.broadcast %get3A_9 : vector<16x1xf32> to vector<16x1024xf32>
    %add3A_10 = arith.addf %dot_general3A_6, %add3A : vector<16x1024xf32>
    %swap3A = arith.constant 0 : index
    %swap3A_11 = arith.constant 0 : index
    %swap3A_12 = vector.load %arg4[%swap3A, %swap3A_11] : memref<16x1024xf32, #tpu.memory_space<vmem>>, vector<16x1024xf32>
    tpu.vector_store %arg4[%swap3A, %swap3A_11], %add3A_10 {strides = array<i32>} : memref<16x1024xf32, #tpu.memory_space<vmem>>, vector<16x1024xf32>,
    return
  }
  func.func @transform_0(%arg0: i32) -> (i32, i32) {
    %c0_i32 = arith.constant 0 : i32
    %c0_i32_0 = arith.constant 0 : i32
    %c0_i32_1 = arith.constant 0 : i32
    return %c0_i32, %c0_i32_0 : i32, i32
  }
  func.func @transform_1(%arg0: i32) -> (i32, i32) {
    %c0_i32 = arith.constant 0 : i32
    %c0_i32_0 = arith.constant 0 : i32
    return %arg0, %c0_i32 : i32, i32
  }
  func.func @transform_2(%arg0: i32) -> (i32, i32) {
    %c0_i32 = arith.constant 0 : i32
    %c0_i32_0 = arith.constant 0 : i32
    %c0_i32_1 = arith.constant 0 : i32
    return %c0_i32, %c0_i32_0 : i32, i32
  }
  func.func @transform_3(%arg0: i32) -> (i32, i32) {
    %c0_i32 = arith.constant 0 : i32
    %c0_i32_0 = arith.constant 0 : i32
    return %c0_i32, %arg0 : i32, i32
  }
}

</mosaic_0001>

<sc_bundles>
// kernel: kernel.4.cloned.1.call-start
scs
__scs_entry_jumppad:
0x0: {  	(pc) =	sbr.rel $0x88, $3  }
0x1: {  	(tag) =	ssettag $0x0;
	lr =	simm.s32 $0x1  }
0x2: {  	[smem:$0x3F9E] =	sst lr;
	_ =	strace $0xD0000000  }
0x3: {  	_ = 	snop  }
0x4: {  	_ = 	snop  }
0x5: {  	_ = 	snop  }
0x6: {  	_ = 	snop  }
0x7: {  	_ = 	snop  }
__scs_overlays_trampoline_lowered:
0x8: {  	[smem:$0x3FAD] =	sst s0  }
0x9: {  	[smem:$0x3FAE] =	sst s1  }
0xa: {  	[smem:$0x3FAF] =	sst s2  }
0xb: {  	[smem:$0x3FB0] =	sst s3  }
0xc: {  	[smem:$0x3FB1] =	sst s4  }
0xd: {  	[smem:$0x3FB2] =	sst s5  }
0xe: {  	[smem:$0x3FB3] =	sst s6  }
0xf: {  	[smem:$0x3FB4] =	sst s7  }
0x10: {  	[smem:$0x3FB5] =	sst s8  }
0x11: {  	[smem:$0x3FB6] =	sst s9;
	s0 =	simm.s32 @!p0 $0x0  }
0x12: {  	s1 =	sld [smem:$0x3F9C];
	s0 =	simm.s32 @p0 $0x1  }
0x13: {  	[smem:$0x3FB7] =	sst s0;
	s0 =	simm.s32 @!p1 $0x0  }
0x14: {  	s2 =	sld [smem:$0x3F9B];
	s0 =	simm.s32 @p1 $0x1  }
0x15: {  	[smem:$0x3FB8] =	sst s0;
	s0 =	simm.s32 @!p2 $0x0  }
0x16: {  	s3 =	sld [smem:$0x3FDB];
	s0 =	simm.s32 @p2 $0x1  }
0x17: {  	s4 =	simm.s32 $0x1BF5;
	[smem:$0x3FBA] =	sst s0  }
0x18: {  	s0 =	sld [smem:$0x3F9D];
	_ =	swait.ge [sflag:s4], $0x0  }
0x19: {  	s7 =	sld [smem:$0x3F9E]  }
0x1a: {  	s8 =	sadd.s32 $0xFFFFE003, lr  }
0x1b: {  	s9 =	sadd.s32 $0xFFFFFEF7, lr;
	s5 =	simm.s32 $0xFFFFFFFF;
	p2 =	slt.u32 s8, $0xFFFFF086  }
0x1c: {  	p1 =	slt.u32 s9, $0xF7A;
	s5 =	simm.s32 @!p2 $0x0  }
0x1d: {  	s5 =	simm.s32 @p1 $0x1;
	p0 =	seq.s32 s7, s2  }
0x1e: {  	s7 =	smul.u32 @!p0 $0xF7A, s2;
	p2 =	seq.s32 @!p0 s5, $0x0  }
0x1f: {  	s9 =	smul.u32 $0xF7A, s1;
	s8 =	simm.s32 @!p0 $0x1BF5;
	p2 =	por !p2, p0  }
0x20: {  	[sflag:s8] =	ssyncset.s32 @!p0 $0xFFFFF086;
	s6 =	sadd.s32 @!p0 s3, s7;
	s7 =	simm.s32 @!p0 $0x108  }
0x21: {  	s3 =	sadd.s32 s3, s9;
	s6 =	sadd.s32 @!p0 $0x88, s6;
	s7 =	simm.s32 @p2 $0x1082  }
0x22: {  	[simem:s7], [sflag:s8] =	dma.local @!p0 [hbm:s6], $0xF7A  }
0x23: {  	s9 =	sor.u32 $0xD0000000, s2;
	s6 =	simm.s32 $0x108;
	_ =	swait.ge @!p0 [sflag:s8], $0x0  }
0x24: {  	s3 =	sadd.s32 $0x88, s3;
	s6 =	simm.s32 @!p1 $0x1082;
	[sflag:s4] =	ssyncset.s32 $0xFFFFF086  }
0x25: {  	[simem:s6], [sflag:s4] =	dma.local [hbm:s3], $0xF7A  }
0x26: {  	[smem:$0x3F9E] =	sst s1;
	(tag) =	ssettag s2;
	_ =	strace s9  }
0x27: {  	s1 =	sld [smem:$0x3FAE]  }
0x28: {  	s2 =	sld [smem:$0x3FAF]  }
0x29: {  	s4 =	sld [smem:$0x3FB1]  }
0x2a: {  	p0 =	seq.s32 s5, $0x0;
	s5 =	sld [smem:$0x3FB2]  }
0x2b: {  	s6 =	sld [smem:$0x3FB3]  }
0x2c: {  	s7 =	sld [smem:$0x3FB4]  }
0x2d: {  	s3 =	simm.s32 $0x108;
	s8 =	sld [smem:$0x3FB5]  }
0x2e: {  	s3 =	simm.s32 @!p0 $0x1082;
	s9 =	sld [smem:$0x3FB6]  }
0x2f: {  	lr =	sadd.s32 s0, s3;
	s0 =	sld [smem:$0x3FAD]  }
0x30: {  	s3 =	sld [smem:$0x3FB0]  }
0x31: {  	[smem:$0x3FB9] =	sst s10  }
0x32: {  	s10 =	sld [smem:$0x3FB7];
	_ =	sdelay $0x3  }
0x33: {  	p0 =	seq.s32 s10, $0x1;
	s10 =	sld [smem:$0x3FB9];
	_ =	sdelay $0x3  }
0x34: {  	[smem:$0x3FB9] =	sst s10  }
0x35: {  	s10 =	sld [smem:$0x3FB8];
	_ =	sdelay $0x3  }
0x36: {  	p1 =	seq.s32 s10, $0x1;
	s10 =	sld [smem:$0x3FB9];
	_ =	sdelay $0x3  }
0x37: {  	[smem:$0x3FB9] =	sst s10  }
0x38: {  	s10 =	sld [smem:$0x3FBA]  }
0x39: {  	_ = 	snop;
	(pc) =	sbr.ind lr, $3  }
0x3a: {  	_ = 	snop  }
0x3b: {  	_ = 	snop  }
0x3c: {  	p2 =	seq.s32 s10, $0x1;
	s10 =	sld [smem:$0x3FB9]  }
0x3d: {  	_ =	shalt  }
0x3e: {  	_ =	shalt  }
0x3f: {  	_ =	shalt  }
0x40: {  	_ =	shalt  }
0x41: {  	_ =	shalt  }
0x42: {  	_ =	shalt  }
0x43: {  	_ =	shalt  }
0x44: {  	_ =	shalt  }
0x45: {  	_ =	shalt  }
0x46: {  	_ =	shalt  }
0x47: {  	_ =	shalt  }
0x48: {  	_ =	shalt  }
0x49: {  	_ =	shalt  }
0x4a: {  	_ =	shalt  }
0x4b: {  	_ =	shalt  }
0x4c: {  	_ =	shalt  }
0x4d: {  	_ =	shalt  }
0x4e: {  	_ =	shalt  }
0x4f: {  	_ =	shalt  }
0x50: {  	_ =	shalt  }
0x51: {  	_ =	shalt  }
0x52: {  	_ =	shalt  }
0x53: {  	_ =	shalt  }
0x54: {  	_ =	shalt  }
0x55: {  	_ =	shalt  }
0x56: {  	_ =	shalt  }
0x57: {  	_ =	shalt  }
0x58: {  	_ =	shalt  }
0x59: {  	_ =	shalt  }
0x5a: {  	_ =	shalt  }
0x5b: {  	_ =	shalt  }
0x5c: {  	_ =	shalt  }
0x5d: {  	_ =	shalt  }
0x5e: {  	_ =	shalt  }
0x5f: {  	_ =	shalt  }
0x60: {  	_ =	shalt  }
0x61: {  	_ =	shalt  }
0x62: {  	_ =	shalt  }
0x63: {  	_ =	shalt  }
0x64: {  	_ =	shalt  }
0x65: {  	_ =	shalt  }
0x66: {  	_ =	shalt  }
0x67: {  	_ =	shalt  }
0x68: {  	_ =	shalt  }
0x69: {  	_ =	shalt  }
0x6a: {  	_ =	shalt  }
0x6b: {  	_ =	shalt  }
0x6c: {  	_ =	shalt  }
0x6d: {  	_ =	shalt  }
0x6e: {  	_ =	shalt  }
0x6f: {  	_ =	shalt  }
0x70: {  	_ =	shalt  }
0x71: {  	_ =	shalt  }
0x72: {  	_ =	shalt  }
0x73: {  	_ =	shalt  }
0x74: {  	_ =	shalt  }
0x75: {  	_ =	shalt  }
0x76: {  	_ =	shalt  }
0x77: {  	_ =	shalt  }
0x78: {  	_ =	shalt  }
0x79: {  	_ =	shalt  }
0x7a: {  	_ =	shalt  }
0x7b: {  	_ =	shalt  }
0x7c: {  	_ =	shalt  }
0x7d: {  	_ =	shalt  }
0x7e: {  	_ =	shalt  }
0x7f: {  	_ =	shalt  }
0x80: {  	_ =	shalt  }
0x81: {  	_ =	shalt  }
0x82: {  	_ =	shalt  }
0x83: {  	_ =	shalt  }
0x84: {  	_ =	shalt  }
0x85: {  	_ =	shalt  }
0x86: {  	_ =	shalt  }
0x87: {  	_ =	shalt  }
.Lfunc_end0:
.L_simem_size_0:
called_computation_lowered:
.L_overlay_start_0:
0x88: {  	s2 =	sld [smem:$0x3FD9]  }
0x89: {  	s3 =	sld [smem:$0x3FFE];
	_ =	sdelay $0x1  }
0x8a: {  	s1 =	srdreg.scid  }
0x8b: {  	s0 =	sand.u32 $0x1, s1  }
0x8c: {  	s14 =	sshll.u32 s0, $0xA;
	s2 =	sadd.s32 s3, s2  }
0x8d: {  	s2 =	sadd.s32 s2, s14  }
0x8e: {  	[smem:$0x3FC5] =	sst s2  }
0x8f: {  	_ = 	snop  }
0x90: {  	s2 =	sld [smem:$0x3FD0];
	_ =	sdelay $0x2  }
0x91: {  	s15 =	simm.s32 $0xA;
	s4 =	simm.s32 $0x10  }
0x92: {  	[smem:s4], [sflag:s15] =	dma.local [hbm:s2], $0x1  }
0x93: {  	_ =	swait.eq [sflag:s15], $0x1  }
0x94: {  	[sflag:s15] =	ssyncset.done $0x0  }
0x95: {  	s16 =	sld [smem:$0x10];
	[sflag:s15] =	ssyncadd.s32 $0xFFFFFFFF  }
0x96: {  	s17 =	sld [smem:$0x11];
	(tm) =	ssettm $0x1  }
0x97: {  	s18 =	sld [smem:$0x3FFB];
	_ =	sdelay $0x3  }
0x98: {  	_ =	strace s18  }
0x99: {  	s4 =	sld [smem:$0x3FFC];
	_ =	sdelay $0x3  }
0x9a: {  	_ =	strace s4  }
0x9b: {  	s4 =	sld [smem:$0x3FFD];
	_ =	sdelay $0x3  }
0x9c: {  	_ =	strace s4  }
0x9d: {  	_ =	strace $0x8FFFFFFF  }
0x9e: {  	s19 =	sld [smem:$0x3FDB];
	_ =	sdelay $0x1  }
0x9f: {  	s5 =	simm.s32 $_scs_section_size  }
0xa0: {  	s6 =	simm.s32 $_size__tile_overlayer_lowered;
	s7 =	simm.s32 $_tile_overlayer_lowered  }
0xa1: {  	s22 =	simm.s32 $0x1BFF;
	s21 =	sshll.u32 s7, $0x1;
	s4 =	sadd.s32 s5, s19  }
0xa2: {  	s8 =	simm.s32 $0x0;
	s20 =	sshll.u32 s6, $0x1;
	s6 =	sadd.s32 s21, s4  }
0xa3: {  	[timem:s8], [sflag:s22] =	dma.local [hbm:s6], s20  }
0xa4: {  	_ =	swait.ge [sflag:s22], s20  }
0xa5: {  	s5 =	ssub.s32 $0x0, s20;
	[sflag:s22] =	ssyncset.done $0x0  }
0xa6: {  	[sflag:s22] =	ssyncadd.s32 s5;
	_ =	sdelay $0x1  }
0xa7: {  	s23 =	simm.s32 $0x1B8B  }
0xa8: {  	_ =	swait.ge [sflag:s23], $0x1  }
0xa9: {  	[sflag:s23] =	ssyncset.done $0x0  }
0xaa: {  	s25 =	simm.s32 $0x1B8E;
	s24 =	sld [smem:$0x3FFE];
	[sflag:s23] =	ssyncadd.s32 $0xFFFFFFFF  }
0xab: {  	s26 =	simm.s32 $execute0_lowered;
	[smem:$0x3FD2] =	sst s25  }
0xac: {  	s6 =	sshll.u32 s26, $0x1;
	_ =	strace $0x80000046;
	[dreg:$0x1] =	wrdreg $0xFFFFFFFF  }
0xad: {  	s28 =	simm.s32 $_size_execute0_lowered;
	s4 =	sadd.s32 s4, s6;
	[dreg:$0x0] =	wrdreg $0x0  }
0xae: {  	s6 =	sshll.u32 s28, $0x1;
	[dreg:$0x2] =	wrdreg s4  }
0xaf: {  	[dreg:$0x3] =	wrdreg s6  }
0xb0: {  	[dreg:$0x4] =	wrdreg $0xC0  }
0xb1: {  	_ =	task [dreg:s8], $0x5FFFF  }
0xb2: {  	[dreg:$0x1] =	wrdreg $0xFFFFFFFF  }
0xb3: {  	[dreg:$0x0] =	wrdreg $0x60  }
0xb4: {  	[dreg:$0x2] =	wrdreg s17  }
0xb5: {  	[dreg:$0x3] =	wrdreg s16  }
0xb6: {  	[dreg:$0x4] =	wrdreg s24  }
0xb7: {  	[dreg:$0x5] =	wrdreg $0x9  }
0xb8: {  	_ =	task.clear_ibuf [dreg:s8], $0x6FFFF;
	_ =	strace $0x90000046  }
0xb9: {  	s29 =	simm.s32 $0x9;
	_ =	strace $0x80000048  }
0xba: {  	_ =	swait.ge [sflag:s29], $0x1  }
0xbb: {  	[sflag:s29] =	ssyncadd.s32 $0xFFFFFFFF  }
0xbc: {  	_ =	strace $0x90000048  }
0xbd: {  	_ =	sfence  }
0xbe: {  	s30 =	sld [smem:$0x0];
	_ =	sdelay $0x2  }
0xbf: {  	s31 =	sshll.u32 s1, $0xD;
	s1 =	sshrl.u32 s1, $0x2  }
0xc0: {  	s3 =	sand.u32 $0x4000, s31;
	s1 =	sadd.s32 s1, s30  }
0xc1: {  	s0 =	sor.u32 s3, s0;
	s1 =	sshll.u32 s1, $0x11  }
0xc2: {  	s0 =	sor.u32 s1, s0  }
0xc3: {  	s0 =	sadd.s32 $0x8F2B, s0  }
0xc4: {  	[sflag:s0] =	ssyncadd.remote.s32 $0x1  }
0xc5: {  	_ =	sfence.sel $0xFFFF  }
0xc6: {  	[dreg:$0x0] =	wrdreg $0xFFFFFFFF;
	(pc) =	sbr.abs _section_cstart, $3  }
0xc7: {  	[dreg:$0x1] =	wrdreg $0xFFFFFFFF  }
0xc8: {  	_ =	task.clear_ibuf [dreg:s8], $0x2FFFF;
	_ =	strace $0x9FFFFFFF  }
0xc9: {  	(tm) =	ssettm $0x7FFFFFFF  }
tec
execute0_lowered:
.L_overlay_start_1:
0x0: {  	(tag) =	ssettag $0x1  }
0x1: {  	s3 =	rddreg [dreg:$0x0]  }
0x2: {  	s4 =	rddreg [dreg:$0x1]  }
0x3: {  	s5 =	rddreg [dreg:$0x2]  }
0x4: {  	v0 =	vlaneseq.u32;
	s0 =	rddreg [dreg:$0x3]  }
0x5: {  	s2 =	simm.s32 $0x0;
	s6 =	srdreg.scid;
	s1 =	stileid.u32;
	v1 =	vand.u32 $0x7, v0;
	v0 =	vmul.u32 $0x10, v0  }
0x6: {  	v2 =	vimm.f32 $0.0e+00;
	s10 =	simm.s32 $0x1000;
	s11 =	simm.s32 $0x2000;
	s12 =	simm.s32 $0x0  }
0x7: {  	[smem:$0x7FF] =	sst s2;
	s6 =	sand.u32 $0x1, s6;
	s7 =	sshll.u32 s1, $0x1;
	v3 =	vmul.u32 $0x10, v1;
	v1 =	vimm.s32 $0x10;
	v4 =	vor.u32 $0x1, v0  }
0x8: {  	_ =	strace $0x80000047;
	s7 =	sor.u32 s6, s7;
	s6 =	ssub.s32 $0x2, s6;
	v5 =	vor.u32 $0x2, v0;
	v6 =	vor.u32 $0x3, v0;
	v7 =	vor.u32 $0x4, v0  }
0x9: {  	s8 =	sshll.u32 s7, $0x9;
	s9 =	sshrl.u32 s6, $0x1;
	s7 =	sshll.u32 s7, $0x8;
	v8 =	vor.u32 $0x5, v0;
	v9 =	vor.u32 $0x6, v0;
	v10 =	vor.u32 $0x7, v0  }
0xa: {  	v11 =	vor.u32 $0x8, v0;
	v12 =	vor.u32 $0x9, v0;
	v13 =	vor.u32 $0xA, v0;
	s5 =	sadd.s32 s8, s5;
	s6 =	ssub.s32 s6, s9;
	s3 =	sadd.s32 s3, s7  }
0xb: {  	v14 =	vor.u32 $0xB, v0;
	v15 =	vor.u32 $0xC, v0;
	v16 =	vor.u32 $0xD, v0;
	s4 =	sadd.s32 s4, s8;
	s7 =	simm.s32 $0x800;
	s8 =	simm.s32 $0x10000  }
0xc: {  	v17 =	vor.u32 $0xE, v0;
	v18 =	vor.u32 $0xF, v0;
	v3 =	vor.u32 $0xFFFFFF80, v3;
	s9 =	simm.s32 $0x1;
	s5 =	sadd.s32 $0xE00, s5;
	s6 =	smax.u32 s6, $0x1  }
.LBB2_1:
0xd: {  	[tilespmem:s2], [sflag:$0x1] =	stream.strided.gather [hbm4b:s3+s7], $0x1000, s8, s7, $0x38;
	[tilespmem:$0x3000] =	vst v63  }
0xe: {  	_ =	swait.ge [sflag:s9], $0x1000  }
0xf: {  	s13 =	sand.u32 $0x70, s2;
	s14 =	sand.u32 $0x400, s2;
	[sflag:s9] =	ssyncset.done $0x0  }
0x10: {  	s13 =	sor.u32 s13, s14;
	[sflag:s9] =	ssyncadd.s32 $0xFFFFF000  }
0x11: {  	v33 =	vld [tilespmem:s13+$0x0]  }
0x12: {  	v34 =	vld [tilespmem:s13+$0x80]  }
0x13: {  	v19 =	vld [tilespmem:s13+$0x100]  }
0x14: {  	v32 =	vld [tilespmem:s13+$0x180]  }
0x15: {  	v31 =	vld [tilespmem:s13+$0x200]  }
0x16: {  	s31 =	sor.u32 s2, s2;
	v20 =	vld [tilespmem:s13+$0x280]  }
0x17: {  	s14 =	sor.u32 $0x380, s31;
	v21 =	vld [tilespmem:s13+$0x300];
	v22 =	vmax.f32 v33, v34  }
0x18: {  	v29 =	vld [tilespmem:s14+$0x0];
	v22 =	vmax.f32 v22, v19  }
0x19: {  	v30 =	vld [tilespmem:s13+$0x800];
	v22 =	vmax.f32 v22, v32  }
0x1a: {  	v27 =	vld [tilespmem:s13+$0x880];
	v23 =	vmax.f32 v22, v31  }
0x1b: {  	v22 =	vld [tilespmem:s13+$0x900];
	v23 =	vmax.f32 v23, v20  }
0x1c: {  	v26 =	vld [tilespmem:s13+$0x980];
	v23 =	vmax.f32 v23, v21  }
0x1d: {  	v28 =	vld [tilespmem:s13+$0xA00];
	v24 =	vmax.f32 v23, v29  }
0x1e: {  	v23 =	vld [tilespmem:s13+$0xA80];
	v25 =	vmax.f32 v24, v30  }
0x1f: {  	v24 =	vld [tilespmem:s13+$0xB00];
	v35 =	vmax.f32 v25, v27  }
0x20: {  	v25 =	vld [tilespmem:s13+$0xB80];
	v35 =	vmax.f32 v35, v22  }
0x21: {  	v35 =	vmax.f32 v35, v26  }
0x22: {  	v35 =	vmax.f32 v35, v28  }
0x23: {  	v35 =	vmax.f32 v35, v23  }
0x24: {  	v35 =	vmax.f32 v35, v24  }
0x25: {  	v35 =	vmax.f32 v35, v25  }
0x26: {  	vm0 =	veq.f32 v25, v35  }
0x27: {  	vm1 =	veq.f32 v24, v35;
	v36 =	vsel vm0, $0xF, v1  }
0x28: {  	vm12 =	veq.f32 v23, v35;
	v36 =	vsel vm1, $0xE, v36  }
0x29: {  	vm13 =	veq.f32 v28, v35;
	v36 =	vsel vm12, $0xD, v36  }
0x2a: {  	vm14 =	veq.f32 v26, v35;
	v36 =	vsel vm13, $0xC, v36  }
0x2b: {  	vm15 =	veq.f32 v22, v35;
	v36 =	vsel vm14, $0xB, v36  }
0x2c: {  	vm4 =	veq.f32 v27, v35;
	v36 =	vsel vm15, $0xA, v36  }
0x2d: {  	vm5 =	veq.f32 v30, v35;
	v36 =	vsel vm4, $0x9, v36  }
0x2e: {  	vm6 =	veq.f32 v29, v35;
	v36 =	vsel vm5, $0x8, v36  }
0x2f: {  	vm7 =	veq.f32 v21, v35;
	v36 =	vsel vm6, $0x7, v36  }
0x30: {  	vm8 =	veq.f32 v20, v35;
	v36 =	vsel vm7, $0x6, v36  }
0x31: {  	vm9 =	veq.f32 v31, v35;
	v36 =	vsel vm8, $0x5, v36  }
0x32: {  	vm10 =	veq.f32 v32, v35;
	v36 =	vsel vm9, $0x4, v36  }
0x33: {  	vm11 =	veq.f32 v19, v35;
	v36 =	vsel vm10, $0x3, v36  }
0x34: {  	vm12 =	veq.f32 v34, v35;
	v36 =	vsel vm11, $0x2, v36  }
0x35: {  	vm13 =	veq.f32 v33, v35;
	v62 =	vsel vm12, $0x1, v36  }
0x36: {  	v35 =	vsel vm13, $0x0, v62  }
0x37: {  	vm14 =	veq.s32 v35, $0x0;
	vm12 =	veq.s32 v35, $0x1  }
0x38: {  	vm3 =	veq.s32 v35, $0x2;
	v63 =	vsel vm14, $0xFF800000, v33;
	v37 =	vsel vm12, $0xFF800000, v34  }
0x39: {  	vm10 =	veq.s32 v35, $0x3;
	v38 =	vsel vm3, $0xFF800000, v19;
	v39 =	vmax.f32 v63, v37  }
0x3a: {  	vm15 =	veq.s32 v35, $0x4;
	v40 =	vsel vm10, $0xFF800000, v32;
	v39 =	vmax.f32 v39, v38  }
0x3b: {  	vm11 =	veq.s32 v35, $0x5;
	v41 =	vsel vm15, $0xFF800000, v31;
	v39 =	vmax.f32 v39, v40  }
0x3c: {  	vm13 =	veq.s32 v35, $0x6;
	v42 =	vsel vm11, $0xFF800000, v20;
	v39 =	vmax.f32 v39, v41  }
0x3d: {  	vm6 =	veq.s32 v35, $0x7;
	v43 =	vsel vm13, $0xFF800000, v21;
	v39 =	vmax.f32 v39, v42  }
0x3e: {  	vm7 =	veq.s32 v35, $0x8;
	v44 =	vsel vm6, $0xFF800000, v29;
	v39 =	vmax.f32 v39, v43  }
0x3f: {  	vm8 =	veq.s32 v35, $0x9;
	v45 =	vsel vm7, $0xFF800000, v30;
	v39 =	vmax.f32 v39, v44  }
0x40: {  	vm9 =	veq.s32 v35, $0xA;
	v46 =	vsel vm8, $0xFF800000, v27;
	v39 =	vmax.f32 v39, v45  }
0x41: {  	vm5 =	veq.s32 v35, $0xB;
	v47 =	vsel vm9, $0xFF800000, v22;
	v39 =	vmax.f32 v39, v46  }
0x42: {  	vm4 =	veq.s32 v35, $0xC;
	v48 =	vsel vm5, $0xFF800000, v26;
	v39 =	vmax.f32 v39, v47  }
0x43: {  	vm2 =	veq.s32 v35, $0xD;
	v49 =	vsel vm4, $0xFF800000, v28;
	v39 =	vmax.f32 v39, v48  }
0x44: {  	vm1 =	veq.s32 v35, $0xE;
	v50 =	vsel vm2, $0xFF800000, v23;
	v39 =	vmax.f32 v39, v49  }
0x45: {  	vm0 =	veq.s32 v35, $0xF;
	v54 =	vsel vm1, $0xFF800000, v24;
	v39 =	vmax.f32 v39, v50  }
0x46: {  	v51 =	vsel vm0, $0xFF800000, v25;
	v39 =	vmax.f32 v39, v54  }
0x47: {  	v53 =	vimm.s32 $0x0;
	v39 =	vmax.f32 v39, v51  }
0x48: {  	v35 =	vsel vm0, $0xFFFFFFFF, v53;
	vm0 =	veq.f32 v51, v39  }
0x49: {  	v51 =	vsel vm0, $0xF, v1;
	vm0 =	veq.f32 v54, v39  }
0x4a: {  	[tilespmem:$0x1FFF0] =	vst v35;
	v35 =	vsel vm0, $0xE, v51;
	vm0 =	veq.f32 v50, v39  }
0x4b: {  	v35 =	vsel vm0, $0xD, v35;
	vm0 =	veq.f32 v49, v39  }
0x4c: {  	v35 =	vsel vm0, $0xC, v35;
	vm0 =	veq.f32 v48, v39  }
0x4d: {  	v35 =	vsel vm0, $0xB, v35;
	vm0 =	veq.f32 v47, v39  }
0x4e: {  	v35 =	vsel vm0, $0xA, v35;
	vm0 =	veq.f32 v46, v39  }
0x4f: {  	v35 =	vsel vm0, $0x9, v35;
	vm0 =	veq.f32 v45, v39  }
0x50: {  	v35 =	vsel vm0, $0x8, v35;
	vm0 =	veq.f32 v44, v39  }
0x51: {  	v35 =	vsel vm0, $0x7, v35;
	vm0 =	veq.f32 v43, v39  }
0x52: {  	v35 =	vsel vm0, $0x6, v35;
	vm0 =	veq.f32 v42, v39  }
0x53: {  	v35 =	vsel vm0, $0x5, v35;
	vm0 =	veq.f32 v41, v39  }
0x54: {  	v35 =	vsel vm0, $0x4, v35;
	vm0 =	veq.f32 v40, v39  }
0x55: {  	v35 =	vsel vm0, $0x3, v35;
	vm0 =	veq.f32 v38, v39  }
0x56: {  	v35 =	vsel vm0, $0x2, v35;
	vm0 =	veq.f32 v37, v39  }
0x57: {  	v35 =	vsel vm0, $0x1, v35;
	vm0 =	veq.f32 v63, v39  }
0x58: {  	v55 =	vsel vm0, $0x0, v35  }
0x59: {  	vm0 =	veq.s32 v55, $0x0  }
0x5a: {  	vm0 =	vmor vm14, vm0;
	vm14 =	veq.s32 v55, $0x1  }
0x5b: {  	vm12 =	vmor vm12, vm14  }
0x5c: {  	v42 =	vsel vm0, $0x3F800000, v2;
	vm14 =	veq.s32 v55, $0x4;
	v41 =	vsel vm12, $0x3F800000, v2  }
0x5d: {  	vm0 =	vmor vm15, vm14;
	vm12 =	veq.s32 v55, $0x3;
	vm15 =	veq.s32 v55, $0x5  }
0x5e: {  	vm14 =	veq.s32 v55, $0x8;
	v56 =	vmul.f32 v42, v33;
	vm10 =	vmor vm10, vm12  }
0x5f: {  	v35 =	vsel vm0, $0x3F800000, v2;
	vm0 =	veq.s32 v55, $0x6;
	vm12 =	veq.s32 v55, $0x2  }
0x60: {  	v57 =	vmul.f32 v41, v34;
	v40 =	vsel vm10, $0x3F800000, v2;
	vm10 =	vmor vm11, vm15  }
0x61: {  	vm0 =	vmor vm13, vm0;
	vm3 =	vmor vm3, vm12;
	vm13 =	veq.s32 v55, $0x7  }
0x62: {  	v54 =	vld [tilespmem:$0x1FFF0];
	vm15 =	vmor vm7, vm14;
	vm11 =	veq.s32 v55, $0xC;
	v31 =	vmul.f32 v35, v31  }
0x63: {  	vm12 =	veq.s32 v55, $0xD;
	vm14 =	veq.s32 v55, $0xF;
	v39 =	vsel vm10, $0x3F800000, v2  }
0x64: {  	v37 =	vsel vm0, $0x3F800000, v2;
	v43 =	vsel vm3, $0x3F800000, v2;
	vm0 =	vmor vm6, vm13  }
0x65: {  	vm6 =	veq.s32 v55, $0x9;
	v36 =	vsel vm15, $0x3F800000, v2;
	vm10 =	veq.s32 v55, $0xB  }
0x66: {  	v58 =	vmax.f32 v56, v57;
	v32 =	vmul.f32 v40, v32;
	vm13 =	veq.s32 v55, $0xE  }
0x67: {  	vm15 =	vnez.u8 v54;
	v38 =	vsel vm0, $0x3F800000, v2;
	v59 =	vmul.f32 v43, v19  }
0x68: {  	vm7 =	vmor vm8, vm6;
	vm8 =	veq.s32 v55, $0xA;
	vm0 =	vmor vm5, vm10  }
0x69: {  	v60 =	vmul.f32 v39, v20;
	v61 =	vmul.f32 v37, v21;
	v47 =	vmax.f32 v58, v59  }
0x6a: {  	v30 =	vmul.f32 v36, v30;
	vm3 =	vmor vm9, vm8;
	v47 =	vmax.f32 v47, v32  }
0x6b: {  	v34 =	vsel vm7, $0x3F800000, v2;
	v19 =	vsel vm0, $0x3F800000, v2;
	v21 =	vmax.f32 v47, v31  }
0x6c: {  	vm0 =	vmor vm4, vm11;
	v29 =	vmul.f32 v38, v29;
	v21 =	vmax.f32 v21, v60  }
0x6d: {  	v33 =	vsel vm3, $0x3F800000, v2;
	v20 =	vsel vm0, $0x3F800000, v2;
	v62 =	vmax.f32 v21, v61  }
0x6e: {  	vm0 =	vmor vm2, vm12;
	v27 =	vmul.f32 v34, v27;
	v47 =	vmax.f32 v62, v29  }
0x6f: {  	v26 =	vmul.f32 v19, v26;
	v63 =	vmul.f32 v33, v22;
	v22 =	vmax.f32 v47, v30  }
0x70: {  	v28 =	vmul.f32 v20, v28;
	v21 =	vsel vm0, $0x3F800000, v2;
	v47 =	vmax.f32 v22, v27  }
0x71: {  	vm0 =	vmor vm1, vm13;
	v55 =	vmul.f32 v21, v23;
	v53 =	vmax.f32 v47, v63  }
0x72: {  	v22 =	vsel vm0, $0x3F800000, v2;
	vm0 =	vmor vm15, vm14;
	v44 =	vmax.f32 v53, v26  }
0x73: {  	v23 =	vsel vm0, $0x3F800000, v2;
	v24 =	vmul.f32 v22, v24;
	v44 =	vmax.f32 v44, v28  }
0x74: {  	v25 =	vmul.f32 v23, v25;
	v44 =	vmax.f32 v44, v55  }
0x75: {  	v44 =	vmax.f32 v44, v24  }
0x76: {  	v44 =	vmax.f32 v44, v25  }
0x77: {  	v45 =	vsub.f32 v56, v44  }
0x78: {  	v46 =	vsub.f32 v57, v44  }
0x79: {  	v45 =	vmul.f32 $1.442695020e+00, v45  }
0x7a: {  	v48 =	vsub.f32 v59, v44;
	v46 =	vmul.f32 $1.442695020e+00, v46  }
0x7b: {  	(erf) = vpow2.f32 v45  }
0x7c: {  	v32 =	vsub.f32 v32, v44;
	v56 =	vmul.f32 $1.442695020e+00, v48;
	(erf) = vpow2.f32 v46;
	_ =	sdelay $0x1  }
0x7d: {  	v32 =	vmul.f32 $1.442695020e+00, v32;
	(erf) = vpow2.f32 v56  }
0x7e: {  	v31 =	vsub.f32 v31, v44  }
0x7f: {  	(erf) = vpow2.f32 v32  }
0x80: {  	v57 =	vsub.f32 v60, v44;
	v31 =	vmul.f32 $1.442695020e+00, v31  }
0x81: {  	v58 =	vsub.f32 v61, v44  }
0x82: {  	v45 =	vmul.f32 $1.442695020e+00, v57;
	(erf) = vpow2.f32 v31  }
0x83: {  	v29 =	vsub.f32 v29, v44;
	v31 =	vmul.f32 $1.442695020e+00, v58;
	v59 =	vpop (erf)  }
0x84: {  	v30 =	vsub.f32 v30, v44;
	(erf) = vpow2.f32 v45;
	v60 =	vpop (erf)  }
0x85: {  	v29 =	vmul.f32 $1.442695020e+00, v29;
	(erf) = vpow2.f32 v31;
	v31 =	vadd.f32 v60, v59  }
0x86: {  	v61 =	vpop (erf)  }
0x87: {  	v30 =	vmul.f32 $1.442695020e+00, v30;
	(erf) = vpow2.f32 v29;
	v29 =	vadd.f32 v31, v61  }
0x88: {  	v27 =	vsub.f32 v27, v44;
	v62 =	vpop (erf)  }
0x89: {  	v29 =	vadd.f32 v29, v62  }
0x8a: {  	v27 =	vmul.f32 $1.442695020e+00, v27  }
0x8b: {  	(erf) = vpow2.f32 v30;
	v30 =	vpop (erf)  }
0x8c: {  	(erf) = vpow2.f32 v27;
	v31 =	vsub.f32 v63, v44;
	v27 =	vadd.f32 v29, v30  }
0x8d: {  	v26 =	vsub.f32 v26, v44;
	v29 =	vpop (erf)  }
0x8e: {  	v28 =	vsub.f32 v28, v44;
	v31 =	vmul.f32 $1.442695020e+00, v31;
	v27 =	vadd.f32 v27, v29  }
0x8f: {  	v26 =	vmul.f32 $1.442695020e+00, v26  }
0x90: {  	v28 =	vmul.f32 $1.442695020e+00, v28;
	(erf) = vpow2.f32 v31;
	v63 =	vpop (erf)  }
0x91: {  	v31 =	vsub.f32 v55, v44;
	(erf) = vpow2.f32 v26;
	v26 =	vadd.f32 v27, v63  }
0x92: {  	v27 =	vpop (erf)  }
0x93: {  	v31 =	vmul.f32 $1.442695020e+00, v31;
	v26 =	vadd.f32 v26, v27  }
0x94: {  	v24 =	vsub.f32 v24, v44;
	(erf) = vpow2.f32 v28;
	v28 =	vpop (erf)  }
0x95: {  	v25 =	vsub.f32 v25, v44;
	v26 =	vadd.f32 v26, v28  }
0x96: {  	v24 =	vmul.f32 $1.442695020e+00, v24;
	(erf) = vpow2.f32 v31  }
0x97: {  	v25 =	vmul.f32 $1.442695020e+00, v25;
	v31 =	vpop (erf)  }
0x98: {  	(erf) = vpow2.f32 v24;
	v24 =	vadd.f32 v26, v31  }
0x99: {  	v26 =	vpop (erf)  }
0x9a: {  	(erf) = vpow2.f32 v25;
	v24 =	vadd.f32 v24, v26  }
0x9b: {  	v25 =	vpop (erf)  }
0x9c: {  	v24 =	vadd.f32 v24, v25  }
0x9d: {  	v44 =	vpop (erf)  }
0x9e: {  	v24 =	vadd.f32 v24, v44  }
0x9f: {  	v49 =	vpop (erf)  }
0xa0: {  	v24 =	vadd.f32 v24, v49  }
0xa1: {  	v50 =	vpop (erf)  }
0xa2: {  	v24 =	vadd.f32 v24, v50  }
0xa3: {  	v51 =	vpop (erf)  }
0xa4: {  	v24 =	vadd.f32 v24, v51;
	_ =	sdelay $0x1  }
0xa5: {  	(erf) = vrcp.f32 v24;
	_ =	sdelay $0x4  }
0xa6: {  	v24 =	vor.u32 s2, v0  }
0xa7: {  	v24 =	vand.u32 v3, v24;
	_ =	sdelay $0x1  }
0xa8: {  	v52 =	vor.u32 s2, v4  }
0xa9: {  	v53 =	vpop (erf)  }
0xaa: {  	v54 =	vor.u32 s2, v5;
	v32 =	vmul.f32 v53, v59  }
0xab: {  	[tilespmem:v24+s10+$0x0] =	vst.idx.msk $0xffff, v42  }
0xac: {  	v57 =	vor.u32 s2, v6;
	v56 =	vmul.f32 v53, v60;
	[tilespmem:v24+s11+$0x0] =	vst.idx.msk $0xffff, v32  }
0xad: {  	[tilespmem:v52+s10+$0x0] =	vst.idx.msk $0xffff, v41  }
0xae: {  	v58 =	vor.u32 s2, v7;
	v24 =	vmul.f32 v53, v61;
	[tilespmem:v52+s11+$0x0] =	vst.idx.msk $0xffff, v56  }
0xaf: {  	[tilespmem:v54+s10+$0x0] =	vst.idx.msk $0xffff, v43  }
0xb0: {  	v59 =	vmul.f32 v53, v62;
	v60 =	vor.u32 s2, v8;
	[tilespmem:v54+s11+$0x0] =	vst.idx.msk $0xffff, v24  }
0xb1: {  	[tilespmem:v57+s10+$0x0] =	vst.idx.msk $0xffff, v40  }
0xb2: {  	v24 =	vmul.f32 v53, v30;
	v30 =	vor.u32 s2, v9;
	[tilespmem:v57+s11+$0x0] =	vst.idx.msk $0xffff, v59  }
0xb3: {  	[tilespmem:v58+s10+$0x0] =	vst.idx.msk $0xffff, v35  }
0xb4: {  	v29 =	vmul.f32 v53, v29;
	v61 =	vor.u32 s2, v10;
	[tilespmem:v58+s11+$0x0] =	vst.idx.msk $0xffff, v24  }
0xb5: {  	[tilespmem:v60+s10+$0x0] =	vst.idx.msk $0xffff, v39  }
0xb6: {  	v62 =	vor.u32 s2, v11;
	v24 =	vmul.f32 v53, v63;
	[tilespmem:v60+s11+$0x0] =	vst.idx.msk $0xffff, v29  }
0xb7: {  	[tilespmem:v30+s10+$0x0] =	vst.idx.msk $0xffff, v37  }
0xb8: {  	v63 =	vor.u32 s2, v12;
	v29 =	vmul.f32 v53, v27;
	[tilespmem:v30+s11+$0x0] =	vst.idx.msk $0xffff, v24  }
0xb9: {  	[tilespmem:v61+s10+$0x0] =	vst.idx.msk $0xffff, v38  }
0xba: {  	v27 =	vor.u32 s2, v13;
	v24 =	vmul.f32 v53, v28;
	[tilespmem:v61+s11+$0x0] =	vst.idx.msk $0xffff, v29  }
0xbb: {  	[tilespmem:v62+s10+$0x0] =	vst.idx.msk $0xffff, v36  }
0xbc: {  	v35 =	vmul.f32 v53, v25;
	v28 =	vmul.f32 v53, v31;
	[tilespmem:v62+s11+$0x0] =	vst.idx.msk $0xffff, v24  }
0xbd: {  	v25 =	vmul.f32 v53, v49;
	v37 =	vmul.f32 v53, v26;
	[tilespmem:v63+s10+$0x0] =	vst.idx.msk $0xffff, v34  }
0xbe: {  	s15 =	simm.s32 $0x0;
	v26 =	vmul.f32 v53, v50;
	v31 =	vmul.f32 v53, v44;
	v29 =	vor.u32 s2, v16;
	[tilespmem:v63+s11+$0x0] =	vst.idx.msk $0xffff, v28  }
0xbf: {  	s16 =	simm.s32 $0x0;
	s14 =	simm.s32 $0x0;
	s13 =	simm.s32 $0x10;
	v24 =	vmul.f32 v53, v51;
	v34 =	vor.u32 s2, v14;
	v28 =	vor.u32 s2, v15;
	[tilespmem:v27+s10+$0x0] =	vst.idx.msk $0xffff, v33  }
.LBB2_2:
0xc0: {  	_ =	sdelay $0x2  }
0xc1: {  	[tilespmem:v27+s11+$0x0] =	vst.idx.msk $0xffff, v37  }
0xc2: {  	[tilespmem:v34+s10+$0x0] =	vst.idx.msk $0xffff, v19  }
0xc3: {  	v19 =	vor.u32 s14, v17;
	[tilespmem:v34+s11+$0x0] =	vst.idx.msk $0xffff, v35  }
0xc4: {  	[tilespmem:v28+s10+$0x0] =	vst.idx.msk $0xffff, v20  }
0xc5: {  	v20 =	vor.u32 s14, v18;
	[tilespmem:v28+s11+$0x0] =	vst.idx.msk $0xffff, v31  }
0xc6: {  	[tilespmem:v29+s10+$0x0] =	vst.idx.msk $0xffff, v21  }
0xc7: {  	[tilespmem:v29+s11+$0x0] =	vst.idx.msk $0xffff, v25  }
0xc8: {  	[tilespmem:v19+s10+$0x0] =	vst.idx.msk $0xffff, v22  }
0xc9: {  	s16 =	sadd.s32 $0x80, s16;
	s17 =	smov.u32 s13;
	[tilespmem:v19+s11+$0x0] =	vst.idx.msk $0xffff, v26  }
0xca: {  	s18 =	sand.u32 $0x70, s17;
	s19 =	sand.u32 $0x400, s16;
	[tilespmem:v20+s10+$0x0] =	vst.idx.msk $0xffff, v23  }
0xcb: {  	s18 =	sor.u32 s18, s19;
	[tilespmem:v20+s11+$0x0] =	vst.idx.msk $0xffff, v24  }
0xcc: {  	v27 =	vld [tilespmem:s18+$0x0]  }
0xcd: {  	v33 =	vld [tilespmem:s18+$0x80]  }
0xce: {  	v20 =	vld [tilespmem:s18+$0x100]  }
0xcf: {  	v19 =	vld [tilespmem:s18+$0x180]  }
0xd0: {  	v28 =	vld [tilespmem:s18+$0x200]  }
0xd1: {  	s17 =	sor.u32 s16, s17;
	v32 =	vld [tilespmem:s18+$0x280]  }
0xd2: {  	s17 =	sor.u32 $0x380, s17;
	v29 =	vld [tilespmem:s18+$0x300];
	v21 =	vmax.f32 v27, v33  }
0xd3: {  	v34 =	vld [tilespmem:s17+$0x0];
	v21 =	vmax.f32 v21, v20  }
0xd4: {  	v31 =	vld [tilespmem:s18+$0x800];
	v21 =	vmax.f32 v21, v19  }
0xd5: {  	v30 =	vld [tilespmem:s18+$0x880];
	v21 =	vmax.f32 v21, v28  }
0xd6: {  	v26 =	vld [tilespmem:s18+$0x900];
	v21 =	vmax.f32 v21, v32  }
0xd7: {  	v23 =	vld [tilespmem:s18+$0x980];
	v22 =	vmax.f32 v21, v29  }
0xd8: {  	v21 =	vld [tilespmem:s18+$0xA00];
	v24 =	vmax.f32 v22, v34  }
0xd9: {  	v22 =	vld [tilespmem:s18+$0xA80];
	v25 =	vmax.f32 v24, v31  }
0xda: {  	v24 =	vld [tilespmem:s18+$0xB00];
	v56 =	vmax.f32 v25, v30  }
0xdb: {  	v25 =	vld [tilespmem:s18+$0xB80];
	v35 =	vmax.f32 v56, v26  }
0xdc: {  	v35 =	vmax.f32 v35, v23  }
0xdd: {  	v35 =	vmax.f32 v35, v21  }
0xde: {  	v35 =	vmax.f32 v35, v22  }
0xdf: {  	v35 =	vmax.f32 v35, v24  }
0xe0: {  	v35 =	vmax.f32 v35, v25  }
0xe1: {  	vm3 =	veq.f32 v25, v35  }
0xe2: {  	vm2 =	veq.f32 v24, v35;
	v36 =	vsel vm3, $0xF, v1  }
0xe3: {  	vm0 =	veq.f32 v29, v35;
	vm4 =	veq.f32 v22, v35;
	v36 =	vsel vm2, $0xE, v36  }
0xe4: {  	vm1 =	veq.f32 v32, v35;
	vm5 =	veq.f32 v21, v35;
	v36 =	vsel vm4, $0xD, v36  }
0xe5: {  	vm6 =	veq.f32 v23, v35;
	vm12 =	veq.f32 v20, v35;
	v36 =	vsel vm5, $0xC, v36  }
0xe6: {  	vm7 =	veq.f32 v26, v35;
	vm13 =	veq.f32 v33, v35;
	v36 =	vsel vm6, $0xB, v36  }
0xe7: {  	vm8 =	veq.f32 v30, v35;
	vm14 =	veq.f32 v27, v35;
	v36 =	vsel vm7, $0xA, v36  }
0xe8: {  	vm9 =	veq.f32 v31, v35;
	vm15 =	veq.f32 v34, v35;
	v57 =	vsel vm8, $0x9, v36  }
0xe9: {  	vm3 =	veq.f32 v28, v35;
	vm2 =	veq.f32 v19, v35;
	v35 =	vsel vm9, $0x8, v57  }
0xea: {  	v35 =	vsel vm15, $0x7, v35  }
0xeb: {  	v35 =	vsel vm0, $0x6, v35  }
0xec: {  	v35 =	vsel vm1, $0x5, v35  }
0xed: {  	v35 =	vsel vm3, $0x4, v35  }
0xee: {  	v38 =	vimm.s32 $0x0;
	v35 =	vsel vm2, $0x3, v35  }
0xef: {  	v43 =	vimm.s32 $0x0;
	v44 =	vimm.s32 $0x0;
	v35 =	vsel vm12, $0x2, v35  }
0xf0: {  	v45 =	vimm.s32 $0x0;
	v46 =	vimm.s32 $0x0;
	v35 =	vsel vm13, $0x1, v35  }
0xf1: {  	v47 =	vimm.s32 $0x0;
	v48 =	vimm.s32 $0x0;
	v35 =	vsel vm14, $0x0, v35  }
0xf2: {  	v55 =	vimm.s32 $0x0;
	vm14 =	veq.s32 v35, $0x0;
	vm15 =	veq.s32 v35, $0x1  }
0xf3: {  	vm10 =	veq.s32 v35, $0x4;
	vm8 =	veq.s32 v35, $0x2;
	vm13 =	veq.s32 v35, $0x3  }
0xf4: {  	vm11 =	veq.s32 v35, $0x5;
	vm12 =	veq.s32 v35, $0x6;
	vm9 =	veq.s32 v35, $0x7  }
0xf5: {  	v36 =	vsel vm14, $0xFF800000, v27;
	v37 =	vsel vm15, $0xFF800000, v33;
	v38 =	vsel vm8, $0xFFFFFFFF, v38  }
0xf6: {  	vm4 =	veq.s32 v35, $0x8;
	[tilespmem:$0x1FF50] =	vst v38;
	v38 =	vsel vm8, $0xFF800000, v20;
	v39 =	vmax.f32 v36, v37  }
0xf7: {  	vm5 =	veq.s32 v35, $0x9;
	v40 =	vsel vm13, $0xFF800000, v19;
	v39 =	vmax.f32 v39, v38  }
0xf8: {  	vm6 =	veq.s32 v35, $0xA;
	v41 =	vsel vm10, $0xFF800000, v28;
	v39 =	vmax.f32 v39, v40  }
0xf9: {  	v42 =	vsel vm11, $0xFF800000, v32;
	v43 =	vsel vm9, $0xFFFFFFFF, v43;
	v39 =	vmax.f32 v39, v41  }
0xfa: {  	vm7 =	veq.s32 v35, $0xB;
	[tilespmem:$0x1FF60] =	vst v43;
	v43 =	vsel vm12, $0xFF800000, v29;
	v39 =	vmax.f32 v39, v42  }
0xfb: {  	v44 =	vsel vm4, $0xFFFFFFFF, v44;
	v58 =	vsel vm9, $0xFF800000, v34;
	v39 =	vmax.f32 v39, v43  }
0xfc: {  	v45 =	vsel vm5, $0xFFFFFFFF, v45;
	v59 =	vsel vm4, $0xFF800000, v31;
	v39 =	vmax.f32 v39, v58  }
0xfd: {  	v60 =	vsel vm5, $0xFF800000, v30;
	v61 =	vsel vm6, $0xFF800000, v26;
	v39 =	vmax.f32 v39, v59  }
0xfe: {  	v62 =	vsel vm7, $0xFF800000, v23;
	vm9 =	veq.s32 v35, $0xD;
	v39 =	vmax.f32 v39, v60  }
0xff: {  	vm4 =	veq.s32 v35, $0xE;
	vm8 =	veq.s32 v35, $0xC;
	v39 =	vmax.f32 v39, v61  }
0x100: {  	vm5 =	veq.s32 v35, $0xF;
	v63 =	vsel vm8, $0xFF800000, v21;
	v39 =	vmax.f32 v39, v62  }
0x101: {  	v54 =	vsel vm9, $0xFF800000, v22;
	v35 =	vsel vm5, $0xFFFFFFFF, v55;
	v56 =	vmax.f32 v39, v63  }
0x102: {  	v49 =	vimm.s32 $0x0;
	v57 =	vsel vm4, $0xFF800000, v24;
	[tilespmem:$0x1FFE0] =	vst v35;
	v35 =	vmax.f32 v56, v54  }
0x103: {  	v50 =	vimm.s32 $0x0;
	v51 =	vsel vm5, $0xFF800000, v25;
	v35 =	vmax.f32 v35, v57  }
0x104: {  	v46 =	vsel vm6, $0xFFFFFFFF, v46;
	v47 =	vsel vm7, $0xFFFFFFFF, v47;
	v35 =	vmax.f32 v35, v51  }
0x105: {  	v49 =	vsel vm9, $0xFFFFFFFF, v49;
	v50 =	vsel vm4, $0xFFFFFFFF, v50;
	vm0 =	veq.f32 v51, v35  }
0x106: {  	vm9 =	veq.f32 v58, v35;
	vm1 =	veq.f32 v57, v35;
	v58 =	vsel vm0, $0xF, v1  }
0x107: {  	v48 =	vsel vm8, $0xFFFFFFFF, v48;
	vm0 =	veq.f32 v54, v35;
	v39 =	vsel vm1, $0xE, v58  }
0x108: {  	vm7 =	veq.f32 v59, v35;
	vm1 =	veq.f32 v63, v35;
	v39 =	vsel vm0, $0xD, v39  }
0x109: {  	vm8 =	veq.f32 v43, v35;
	vm0 =	veq.f32 v62, v35;
	v39 =	vsel vm1, $0xC, v39  }
0x10a: {  	vm6 =	veq.f32 v42, v35;
	vm1 =	veq.f32 v61, v35;
	v59 =	vsel vm0, $0xB, v39  }
0x10b: {  	vm5 =	veq.f32 v41, v35;
	vm0 =	veq.f32 v60, v35;
	v60 =	vsel vm1, $0xA, v59  }
0x10c: {  	vm4 =	veq.f32 v40, v35;
	vm3 =	veq.f32 v38, v35;
	v61 =	vsel vm0, $0x9, v60  }
0x10d: {  	vm2 =	veq.f32 v37, v35;
	vm1 =	veq.f32 v36, v35;
	v35 =	vsel vm7, $0x8, v61  }
0x10e: {  	v35 =	vsel vm9, $0x7, v35  }
0x10f: {  	v35 =	vsel vm8, $0x6, v35  }
0x110: {  	v35 =	vsel vm6, $0x5, v35  }
0x111: {  	v35 =	vsel vm5, $0x4, v35  }
0x112: {  	v35 =	vsel vm4, $0x3, v35  }
0x113: {  	v35 =	vsel vm3, $0x2, v35  }
0x114: {  	v35 =	vsel vm2, $0x1, v35  }
0x115: {  	v62 =	vsel vm1, $0x0, v35  }
0x116: {  	vm6 =	veq.s32 v62, $0x0  }
0x117: {  	vm9 =	veq.s32 v62, $0x4;
	vm0 =	vmor vm14, vm6  }
0x118: {  	vm3 =	vmor vm10, vm9;
	v37 =	vsel vm0, $0x3F800000, v2  }
0x119: {  	v40 =	vmul.f32 v37, v27;
	v27 =	vsel vm3, $0x3F800000, v2  }
0x11a: {  	v43 =	vmul.f32 v27, v28;
	v28 =	vld [tilespmem:$0x1FF50];
	_ =	sdelay $0x1  }
0x11b: {  	vm7 =	veq.s32 v62, $0x1  }
0x11c: {  	vm8 =	veq.s32 v62, $0x3;
	vm2 =	vmor vm15, vm7  }
0x11d: {  	v35 =	vsel vm2, $0x3F800000, v2;
	vm2 =	vmor vm13, vm8;
	vm13 =	veq.s32 v62, $0x6  }
0x11e: {  	vm9 =	veq.s32 v62, $0x2;
	vm3 =	vmor vm12, vm13;
	vm12 =	vnez.u8 v28  }
0x11f: {  	vm6 =	vmor vm12, vm9  }
0x120: {  	[tilespmem:$0x1FF80] =	vst v45;
	v38 =	vsel vm6, $0x3F800000, v2  }
0x121: {  	[tilespmem:$0x1FF90] =	vst v46;
	v46 =	vmul.f32 v38, v20;
	v20 =	vld [tilespmem:$0x1FF80];
	_ =	sdelay $0x1  }
0x122: {  	v52 =	vld [tilespmem:$0x1FF60];
	[tilespmem:$0x1FFB0] =	vst v48  }
0x123: {  	[tilespmem:$0x1FF70] =	vst v44;
	v55 =	vld [tilespmem:$0x1FFB0];
	vm1 =	veq.s32 v62, $0xE  }
0x124: {  	v53 =	vld [tilespmem:$0x1FF70];
	vm4 =	veq.s32 v62, $0x7;
	vm5 =	veq.s32 v62, $0x8;
	vm14 =	veq.s32 v62, $0xD  }
0x125: {  	vm15 =	veq.s32 v62, $0xB;
	vm10 =	veq.s32 v62, $0x5;
	vm7 =	vnez.u8 v20;
	v20 =	vld [tilespmem:$0x1FF90]  }
0x126: {  	vm0 =	veq.s32 v62, $0xA;
	vm11 =	vmor vm11, vm10;
	vm10 =	veq.s32 v62, $0xC  }
0x127: {  	v41 =	vmul.f32 v35, v33;
	v36 =	vsel vm2, $0x3F800000, v2;
	vm13 =	vnez.u8 v52  }
0x128: {  	[tilespmem:$0x1FFC0] =	vst v49;
	v33 =	vsel vm11, $0x3F800000, v2;
	vm11 =	vnez.u8 v55;
	vm2 =	vmor vm13, vm4  }
0x129: {  	[tilespmem:$0x1FFA0] =	vst v47;
	v58 =	vld [tilespmem:$0x1FFC0];
	vm4 =	vnez.u8 v53;
	v45 =	vmul.f32 v33, v32;
	v54 =	vmul.f32 v36, v19  }
0x12a: {  	v63 =	vmax.f32 v40, v41;
	v28 =	vsel vm3, $0x3F800000, v2;
	vm8 =	vnez.u8 v20;
	v20 =	vld [tilespmem:$0x1FFA0]  }
0x12b: {  	v44 =	vmul.f32 v28, v29;
	v29 =	vsel vm2, $0x3F800000, v2;
	vm2 =	vmor vm4, vm5  }
0x12c: {  	vm6 =	veq.s32 v62, $0x9;
	v47 =	vmul.f32 v29, v34;
	v19 =	vmax.f32 v63, v46  }
0x12d: {  	v34 =	vsel vm2, $0x3F800000, v2;
	v19 =	vmax.f32 v19, v54;
	vm2 =	vmor vm7, vm6  }
0x12e: {  	[tilespmem:$0x1FFD0] =	vst v50;
	vm12 =	vnez.u8 v58;
	v19 =	vmax.f32 v19, v43;
	v32 =	vsel vm2, $0x3F800000, v2  }
0x12f: {  	v60 =	vld [tilespmem:$0x1FFD0];
	v42 =	vmul.f32 v32, v30;
	vm0 =	vmor vm8, vm0;
	vm9 =	vnez.u8 v20  }
0x130: {  	v30 =	vsel vm0, $0x3F800000, v2;
	v20 =	vmax.f32 v19, v45;
	vm0 =	vmor vm9, vm15  }
0x131: {  	v56 =	vmax.f32 v20, v44;
	v19 =	vsel vm0, $0x3F800000, v2;
	vm0 =	vmor vm11, vm10  }
0x132: {  	v20 =	vsel vm0, $0x3F800000, v2;
	vm0 =	vmor vm12, vm14;
	vm14 =	veq.s32 v62, $0xF;
	v62 =	vld [tilespmem:$0x1FFE0]  }
0x133: {  	v31 =	vmul.f32 v34, v31  }
0x134: {  	vm13 =	vnez.u8 v60;
	v57 =	vmul.f32 v19, v23;
	v23 =	vmax.f32 v56, v47  }
0x135: {  	v26 =	vmul.f32 v30, v26;
	v59 =	vmul.f32 v20, v21;
	v23 =	vmax.f32 v23, v31  }
0x136: {  	v21 =	vsel vm0, $0x3F800000, v2;
	vm0 =	vmor vm13, vm1;
	v23 =	vmax.f32 v23, v42  }
0x137: {  	v61 =	vmul.f32 v21, v22;
	v23 =	vmax.f32 v23, v26;
	vm15 =	vnez.u8 v62  }
0x138: {  	v22 =	vsel vm0, $0x3F800000, v2;
	v63 =	vmax.f32 v23, v57;
	vm0 =	vmor vm15, vm14  }
0x139: {  	v24 =	vmul.f32 v22, v24;
	v51 =	vmax.f32 v63, v59;
	v23 =	vsel vm0, $0x3F800000, v2  }
0x13a: {  	v51 =	vmax.f32 v51, v61;
	v25 =	vmul.f32 v23, v25  }
0x13b: {  	v51 =	vmax.f32 v51, v24  }
0x13c: {  	v51 =	vmax.f32 v51, v25  }
0x13d: {  	v40 =	vsub.f32 v40, v51  }
0x13e: {  	v41 =	vsub.f32 v41, v51  }
0x13f: {  	v40 =	vmul.f32 $1.442695020e+00, v40  }
0x140: {  	v46 =	vsub.f32 v46, v51;
	v41 =	vmul.f32 $1.442695020e+00, v41  }
0x141: {  	(erf) = vpow2.f32 v40  }
0x142: {  	v48 =	vsub.f32 v54, v51;
	v46 =	vmul.f32 $1.442695020e+00, v46;
	(erf) = vpow2.f32 v41;
	_ =	sdelay $0x1  }
0x143: {  	v43 =	vsub.f32 v43, v51;
	v48 =	vmul.f32 $1.442695020e+00, v48;
	(erf) = vpow2.f32 v46;
	_ =	sdelay $0x1  }
0x144: {  	v45 =	vsub.f32 v45, v51;
	v43 =	vmul.f32 $1.442695020e+00, v43;
	(erf) = vpow2.f32 v48;
	_ =	sdelay $0x1  }
0x145: {  	v44 =	vsub.f32 v44, v51;
	v53 =	vmul.f32 $1.442695020e+00, v45;
	(erf) = vpow2.f32 v43;
	_ =	sdelay $0x1  }
0x146: {  	v54 =	vsub.f32 v47, v51;
	v55 =	vmul.f32 $1.442695020e+00, v44;
	(erf) = vpow2.f32 v53;
	v60 =	vpop (erf)  }
0x147: {  	v31 =	vsub.f32 v31, v51;
	v39 =	vsub.f32 v61, v51;
	v61 =	vpop (erf)  }
0x148: {  	v56 =	vmul.f32 $1.442695020e+00, v54;
	(erf) = vpow2.f32 v55;
	v62 =	vadd.f32 v61, v60  }
0x149: {  	v42 =	vsub.f32 v42, v51;
	v57 =	vsub.f32 v57, v51;
	v63 =	vpop (erf)  }
0x14a: {  	v31 =	vmul.f32 $1.442695020e+00, v31;
	(erf) = vpow2.f32 v56;
	v56 =	vadd.f32 v62, v63  }
0x14b: {  	v26 =	vsub.f32 v26, v51;
	v58 =	vsub.f32 v59, v51;
	v44 =	vpop (erf)  }
0x14c: {  	v42 =	vmul.f32 $1.442695020e+00, v42;
	(erf) = vpow2.f32 v31;
	v31 =	vadd.f32 v56, v44  }
0x14d: {  	v45 =	vmul.f32 $1.442695020e+00, v57;
	v57 =	vpop (erf)  }
0x14e: {  	v26 =	vmul.f32 $1.442695020e+00, v26;
	(erf) = vpow2.f32 v42;
	v48 =	vadd.f32 v31, v57  }
0x14f: {  	v59 =	vmul.f32 $1.442695020e+00, v58;
	v58 =	vpop (erf)  }
0x150: {  	(erf) = vpow2.f32 v26;
	v26 =	vadd.f32 v48, v58  }
0x151: {  	v31 =	vpop (erf)  }
0x152: {  	(erf) = vpow2.f32 v45;
	v26 =	vadd.f32 v26, v31  }
0x153: {  	v39 =	vmul.f32 $1.442695020e+00, v39;
	v45 =	vpop (erf)  }
0x154: {  	v24 =	vsub.f32 v24, v51;
	(erf) = vpow2.f32 v59;
	v26 =	vadd.f32 v26, v45  }
0x155: {  	v25 =	vsub.f32 v25, v51;
	v43 =	vpop (erf)  }
0x156: {  	v24 =	vmul.f32 $1.442695020e+00, v24;
	(erf) = vpow2.f32 v39;
	v59 =	vadd.f32 v26, v43  }
0x157: {  	v25 =	vmul.f32 $1.442695020e+00, v25;
	v39 =	vpop (erf)  }
0x158: {  	(erf) = vpow2.f32 v24;
	v24 =	vadd.f32 v59, v39  }
0x159: {  	v26 =	vpop (erf)  }
0x15a: {  	(erf) = vpow2.f32 v25;
	v24 =	vadd.f32 v24, v26  }
0x15b: {  	v25 =	vpop (erf)  }
0x15c: {  	v24 =	vadd.f32 v24, v25  }
0x15d: {  	v48 =	vpop (erf)  }
0x15e: {  	v24 =	vadd.f32 v24, v48  }
0x15f: {  	v49 =	vpop (erf)  }
0x160: {  	v24 =	vadd.f32 v24, v49  }
0x161: {  	v50 =	vpop (erf)  }
0x162: {  	v24 =	vadd.f32 v24, v50  }
0x163: {  	v51 =	vpop (erf)  }
0x164: {  	v24 =	vadd.f32 v24, v51;
	_ =	sdelay $0x1  }
0x165: {  	(erf) = vrcp.f32 v24;
	_ =	sdelay $0x3  }
0x166: {  	s15 =	sadd.s32 $0x100, s15  }
0x167: {  	v24 =	vor.u32 s15, v0  }
0x168: {  	v24 =	vand.u32 v3, v24;
	_ =	sdelay $0x1  }
0x169: {  	v52 =	vor.u32 s15, v4  }
0x16a: {  	v54 =	vpop (erf)  }
0x16b: {  	v53 =	vor.u32 s15, v5;
	v60 =	vmul.f32 v54, v60  }
0x16c: {  	[tilespmem:v24+s10+$0x0] =	vst.idx.msk $0xffff, v37  }
0x16d: {  	v61 =	vmul.f32 v54, v61;
	v62 =	vmul.f32 v54, v63;
	v63 =	vor.u32 s15, v6;
	[tilespmem:v24+s11+$0x0] =	vst.idx.msk $0xffff, v60  }
0x16e: {  	[tilespmem:v52+s10+$0x0] =	vst.idx.msk $0xffff, v35  }
0x16f: {  	v55 =	vor.u32 s15, v7;
	[tilespmem:v52+s11+$0x0] =	vst.idx.msk $0xffff, v61  }
0x170: {  	[tilespmem:v53+s10+$0x0] =	vst.idx.msk $0xffff, v38  }
0x171: {  	v59 =	vor.u32 s15, v8;
	v44 =	vmul.f32 v54, v44;
	[tilespmem:v53+s11+$0x0] =	vst.idx.msk $0xffff, v62  }
0x172: {  	[tilespmem:v63+s10+$0x0] =	vst.idx.msk $0xffff, v36  }
0x173: {  	v41 =	vmul.f32 v54, v57;
	v60 =	vor.u32 s15, v9;
	[tilespmem:v63+s11+$0x0] =	vst.idx.msk $0xffff, v44  }
0x174: {  	[tilespmem:v55+s10+$0x0] =	vst.idx.msk $0xffff, v27  }
0x175: {  	v42 =	vmul.f32 v54, v58;
	v61 =	vor.u32 s15, v10;
	[tilespmem:v55+s11+$0x0] =	vst.idx.msk $0xffff, v41  }
0x176: {  	[tilespmem:v59+s10+$0x0] =	vst.idx.msk $0xffff, v33  }
0x177: {  	v56 =	vmul.f32 v54, v31;
	v62 =	vor.u32 s15, v11;
	[tilespmem:v59+s11+$0x0] =	vst.idx.msk $0xffff, v42  }
0x178: {  	[tilespmem:v60+s10+$0x0] =	vst.idx.msk $0xffff, v28  }
0x179: {  	v45 =	vmul.f32 v54, v45;
	v63 =	vor.u32 s15, v12;
	[tilespmem:v60+s11+$0x0] =	vst.idx.msk $0xffff, v56  }
0x17a: {  	[tilespmem:v61+s10+$0x0] =	vst.idx.msk $0xffff, v29  }
0x17b: {  	p0 =	sne.s32 s13, $0xF0;
	v58 =	vmul.f32 v54, v43;
	v27 =	vor.u32 s15, v13;
	[tilespmem:v61+s11+$0x0] =	vst.idx.msk $0xffff, v45  }
.Ltmp0:
0x17c: {  	v39 =	vmul.f32 v54, v39;
	[tilespmem:v62+s10+$0x0] =	vst.idx.msk $0xffff, v34;
	(pc) =	sbr.rel @p0 .LBB2_2-.Ltmp0, $4  }
0x17d: {  	v37 =	vmul.f32 v54, v26;
	v31 =	vmul.f32 v54, v48;
	[tilespmem:v62+s11+$0x0] =	vst.idx.msk $0xffff, v58  }
0x17e: {  	v26 =	vmul.f32 v54, v50;
	v24 =	vmul.f32 v54, v51;
	[tilespmem:v63+s10+$0x0] =	vst.idx.msk $0xffff, v32  }
0x17f: {  	v35 =	vmul.f32 v54, v25;
	v25 =	vmul.f32 v54, v49;
	[tilespmem:v63+s11+$0x0] =	vst.idx.msk $0xffff, v39  }
0x180: {  	s13 =	sadd.s32 $0x10, s13;
	s14 =	smov.u32 s15;
	v28 =	vor.u32 s15, v15;
	v29 =	vor.u32 s15, v16;
	v34 =	vor.u32 s15, v14;
	[tilespmem:v27+s10+$0x0] =	vst.idx.msk $0xffff, v30  }
0x181: {  	_ =	sdelay $0x3  }
0x182: {  	[tilespmem:v27+s11+$0x0] =	vst.idx.msk $0xffff, v37  }
0x183: {  	[tilespmem:v34+s10+$0x0] =	vst.idx.msk $0xffff, v19  }
0x184: {  	v19 =	vor.u32 s14, v17;
	[tilespmem:v34+s11+$0x0] =	vst.idx.msk $0xffff, v35  }
0x185: {  	[tilespmem:v28+s10+$0x0] =	vst.idx.msk $0xffff, v20  }
0x186: {  	v20 =	vor.u32 s14, v18;
	[tilespmem:v28+s11+$0x0] =	vst.idx.msk $0xffff, v31  }
0x187: {  	[tilespmem:v29+s10+$0x0] =	vst.idx.msk $0xffff, v21  }
0x188: {  	[tilespmem:v29+s11+$0x0] =	vst.idx.msk $0xffff, v25  }
0x189: {  	[tilespmem:v19+s10+$0x0] =	vst.idx.msk $0xffff, v22  }
0x18a: {  	[tilespmem:v19+s11+$0x0] =	vst.idx.msk $0xffff, v26  }
0x18b: {  	[tilespmem:v20+s10+$0x0] =	vst.idx.msk $0xffff, v23  }
0x18c: {  	[tilespmem:v20+s11+$0x0] =	vst.idx.msk $0xffff, v24  }
0x18d: {  	[hbm4b:s4+s2] =	stream.linear.scatter [tilespmem:s10], [sflag:$0x1], $0x1000, $0x38;
	[tilespmem:$0x3000] =	vst v63  }
0x18e: {  	s12 =	sadd.s32 $0x1, s12;
	_ =	swait.ge [sflag:s9], $0x1000  }
0x18f: {  	p0 =	sne.s32 s12, s6;
	[sflag:s9] =	ssyncset.done $0x0  }
.Ltmp1:
0x190: {  	[sflag:s9] =	ssyncadd.s32 $0xFFFFF000;
	(pc) =	sbr.rel @p0 .LBB2_1-.Ltmp1, $4  }
0x191: {  	[hbm4b:s5+s2] =	stream.linear.scatter [tilespmem:s11], [sflag:$0x1], $0x1000, $0x38;
	[tilespmem:$0x3000] =	vst v63  }
0x192: {  	_ =	swait.ge [sflag:s9], $0x1000  }
0x193: {  	[sflag:s9] =	ssyncset.done $0x0  }
0x194: {  	[sflag:s9] =	ssyncadd.s32 $0xFFFFF000  }
0x195: {  	_ =	sfence.sel $0x180000  }
0x196: {  	[bflag:$0x0] =	sbarrier.arrive $0xFFFF  }
0x197: {  	p0 =	sne.s32 s1, $0x0;
	_ =	strace $0x90000047  }
0x198: {  	s0 =	sadd.s32 @!p0 $0x100000, s0;
	[bflag:$0x2] =	sbarrier.arrive $0xFFFF  }
0x199: {  	[sflag:s0] =	ssyncadd.tile.s32 @!p0 $0x1;
	_ =	shalt  }
.Lfunc_end2:
_tile_overlayer_lowered:
.L_overlay_start_2:
0x19a: {  	(tag) =	ssettag $0x2  }
0x19b: {  	s0 =	rddreg [dreg:$0x0];
	s2 =	stileid.u32  }
0x19c: {  	s1 =	rddreg [dreg:$0x1];
	p0 =	sne.s32 s2, $0x0  }
0x19d: {  	s3 =	rddreg [dreg:$0x2];
	[bflag:$0x3] =	sbarrier.arrive $0xFFFF;
	s2 =	simm.s32 @!p0 $0x1C01  }
0x19e: {  	[timem:s3], [sflag:s2] =	dma.local @!p0 [hbm:s0], s1  }
0x19f: {  	s0 =	simm.s32 @!p0 $0x1  }
0x1a0: {  	_ =	swait.ge @!p0 [sflag:s0], s1  }
0x1a1: {  	s1 =	ssub.s32 @!p0 $0x0, s1;
	[sflag:s0] =	ssyncset.done @!p0 $0x0  }
0x1a2: {  	[sflag:s0] =	ssyncadd.s32 @!p0 s1  }
0x1a3: {  	[bflag:$0x3] =	sbarrier.arrive $0xFFFF  }
0x1a4: {  	_ =	shalt  }

</sc_bundles>
